<compile_context>
chip_gen: v7x
topology: tpu7x:2x2x1
jax: 0.10.2.dev20260603
libtpu: 0.0.44.dev20260713+nightly
codegen_flags: <defaults>
</compile_context>

<pallas_src>
import jax
import jax.numpy as jnp
from jax import lax
from jax.experimental import pallas as pl
from jax.experimental.pallas import tpu as pltpu
from jax.experimental.pallas import tpu_sc as plsc

N = 10000
E = 320000
D = 128

NC = 2
NS = 16
NW = NC * NS
E_PER_TILE = E // NW
CHUNK = 80
NCHUNK = E_PER_TILE // CHUNK
NPAD = 10240
ROWS_PER_TILE = NPAD // NS
WB = 32


GROUPS = ((0, 64), (64, NCHUNK - 64))
GBUF = 64 * CHUNK


def _sc_agg_body(x_hbm, ei_hbm, out_hbm,
                 acc_sh, src_v, dst_v, rows_v, wb_v, sem_g, sem_s):
    c = lax.axis_index("c")
    s = lax.axis_index("s")
    w = s * NC + c

    def _zrow(i, _):
        for j in range(D // 16):
            wb_v[i, pl.ds(j * 16, 16)] = jnp.zeros((16,), jnp.float32)
        return 0
    lax.fori_loop(0, WB, _zrow, 0)
    row0 = s * ROWS_PER_TILE
    nz = ROWS_PER_TILE // WB
    for k in range(nz):
        pltpu.async_copy(wb_v, acc_sh.at[pl.ds(row0 + k * WB, WB)], sem_s)
    e00 = w * E_PER_TILE
    pltpu.sync_copy(ei_hbm.at[pl.ds(e00, GBUF)], src_v)
    pltpu.sync_copy(ei_hbm.at[pl.ds(E + e00, GBUF)], dst_v)
    pltpu.async_copy(x_hbm.at[src_v.at[pl.ds(0, CHUNK)]], rows_v.at[0], sem_g)
    for k in range(nz):
        pltpu.make_async_copy(wb_v, acc_sh.at[pl.ds(row0, WB)], sem_s).wait()
    plsc.subcore_barrier()

    def _gather_wait(b):
        pltpu.make_async_copy(x_hbm.at[pl.ds(0, CHUNK)], rows_v.at[b], sem_g).wait()

    def _scatter_wait(b):
        pltpu.make_async_copy(rows_v.at[b], acc_sh.at[pl.ds(0, CHUNK)], sem_s).wait()

    for base, cnt in GROUPS:
        e0 = w * E_PER_TILE + base * CHUNK
        if base:
            pltpu.sync_copy(ei_hbm.at[pl.ds(e0, cnt * CHUNK)],
                            src_v.at[pl.ds(0, cnt * CHUNK)])
            pltpu.sync_copy(ei_hbm.at[pl.ds(E + e0, cnt * CHUNK)],
                            dst_v.at[pl.ds(0, cnt * CHUNK)])
            pltpu.async_copy(x_hbm.at[src_v.at[pl.ds(0, CHUNK)]], rows_v.at[0],
                             sem_g)

        def _chunk(i, _):
            b = lax.rem(i, 2)

            @pl.when(i > 0)
            def _():
                _scatter_wait(1 - b)

            @pl.when(i < cnt - 1)
            def _():
                pltpu.async_copy(
                    x_hbm.at[src_v.at[pl.ds((i + 1) * CHUNK, CHUNK)]],
                    rows_v.at[1 - b], sem_g)
            _gather_wait(b)
            pltpu.async_copy(rows_v.at[b],
                             acc_sh.at[dst_v.at[pl.ds(i * CHUNK, CHUNK)]],
                             sem_s, add=True)
            return 0
        lax.fori_loop(0, cnt, _chunk, 0)
        _scatter_wait(lax.rem(cnt - 1, 2))
    plsc.subcore_barrier()

    WBH = 128
    nw = ROWS_PER_TILE // WBH
    for k in range(nw):
        r = row0 + k * WBH
        pltpu.async_copy(acc_sh.at[pl.ds(r, WBH)], out_hbm.at[c, pl.ds(r, WBH)],
                         sem_g)
    for k in range(nw):
        pltpu.make_async_copy(acc_sh.at[pl.ds(row0, WBH)],
                              out_hbm.at[c, pl.ds(row0, WBH)], sem_g).wait()


@jax.jit
def _sc_aggregate(x, ei_flat):
    mesh = plsc.VectorSubcoreMesh(core_axis_name="c", subcore_axis_name="s")
    return pl.kernel(
        _sc_agg_body,
        out_type=jax.ShapeDtypeStruct((NC, NPAD, D), jnp.float32),
        mesh=mesh,
        scratch_types=[
            pltpu.VMEM_SHARED((NPAD, D), jnp.float32),
            pltpu.VMEM((GBUF,), jnp.int32),
            pltpu.VMEM((GBUF,), jnp.int32),
            pltpu.VMEM((2, CHUNK, D), jnp.float32),
            pltpu.VMEM((WB, D), jnp.float32),
            pltpu.SemaphoreType.DMA,
            pltpu.SemaphoreType.DMA,
        ],
    )(x, ei_flat)


def _tc_body(x_ref, p0_ref, p1_ref, w1_ref, b1_ref, wff1_ref, wff2_ref, o_ref):
    agg = p0_ref[0] + p1_ref[0]
    pre = jnp.dot(agg, w1_ref[...], preferred_element_type=jnp.float32)
    h = x_ref[...] + jnp.maximum(pre + b1_ref[0:1, :], 0.0)
    ff = jnp.maximum(jnp.dot(h, wff1_ref[...], preferred_element_type=jnp.float32), 0.0)
    o_ref[...] = h + jnp.dot(ff, wff2_ref[...], preferred_element_type=jnp.float32)


@jax.jit
def _tc_ffn(x, parts, W1, b1_t, Wff1, Wff2):
    R = 2000
    grid = (N // R,)
    row_spec = pl.BlockSpec((R, D), lambda i: (i, 0))
    p0_spec = pl.BlockSpec((1, R, D), lambda i: (0, i, 0))
    p1_spec = pl.BlockSpec((1, R, D), lambda i: (1, i, 0))
    full = lambda shape: pl.BlockSpec(shape, lambda i: (0,) * len(shape))
    return pl.pallas_call(
        _tc_body,
        grid=grid,
        in_specs=[row_spec, p0_spec, p1_spec,
                  full((D, D)), full((8, D)), full((D, 2 * D)), full((2 * D, D))],
        out_specs=row_spec,
        out_shape=jax.ShapeDtypeStruct((N, D), jnp.float32),
    )(x, parts, parts, W1, b1_t, Wff1, Wff2)


def kernel(x, edge_index, W1, b1, Wff1, Wff2):
    parts = _sc_aggregate(x, edge_index.reshape(2 * E))
    b1_t = jnp.broadcast_to(b1.reshape(1, D), (8, D))
    return _tc_ffn(x, parts, W1, b1_t, Wff1, Wff2)

# --- scband reference (transcript-rebuilt; emitter-appended) ---
"""Pipeline reference for scband-gpslayer-53360673686110 (READ-ONLY COPY).

The authoritative reference and input builder live on the scoring server;
editing this copy changes nothing except your own understanding.
"""

import jax, jax.numpy as jnp
import numpy as np

N = 10000
E = 320000
D = 128

def setup_inputs(seed: int = 0) -> dict:
    key = jax.random.key(seed)
    k1, k2, k3, k4, k5, k6 = jax.random.split(key, 6)
    x = jax.random.normal(k1, (N, D), dtype=jnp.float32)
    edge_index = jax.random.randint(k2, (2, E), 0, N)
    W1 = jax.random.normal(k3, (D, D), dtype=jnp.float32) * (1.0 / np.sqrt(D))
    b1 = jnp.zeros((D,), dtype=jnp.float32)
    Wff1 = jax.random.normal(k4, (D, 2 * D), dtype=jnp.float32) * (1.0 / np.sqrt(D))
    Wff2 = jax.random.normal(k5, (2 * D, D), dtype=jnp.float32) * (1.0 / np.sqrt(2 * D))
    return {"x": x, "edge_index": edge_index, "W1": W1, "b1": b1, "Wff1": Wff1, "Wff2": Wff2}

def reference(x, edge_index, W1, b1, Wff1, Wff2):
    # GPS-style layer: local message passing (gather -> linear -> scatter-add)
    # followed by a residual feed-forward block.
    src = edge_index[0]
    dst = edge_index[1]
    msgs = jnp.take(x, src, axis=0) @ W1            # gather + dense
    agg = jax.ops.segment_sum(msgs, dst, num_segments=x.shape[0])  # scatter-add
    h = x + jax.nn.relu(agg + b1)                   # local residual
    h = h + (jax.nn.relu(h @ Wff1) @ Wff2)          # FFN residual
    return h

if __name__ == "__main__":
    import jax
    _d = setup_inputs()
    print(jax.jit(kernel)(*tuple(_d.values())))

</pallas_src>

<mosaic_0001>
#map = affine_map<(d0, d1) -> (0, 0)>
#map1 = affine_map<(d0, d1) -> (0)>
#map2 = affine_map<(d0, d1) -> (0, 0, 0)>
module attributes {stable_mosaic.version = 14 : i64} {
  func.func @_sc_agg_body(%arg0: i32, %arg1: i32, %arg2: memref<10000x128xf32, #tpu.memory_space<hbm>>, %arg3: memref<640000xi32, #tpu.memory_space<hbm>>, %arg4: memref<2x10240x128xf32, #tpu.memory_space<hbm>>, %arg5: memref<10240x128xf32, #tpu.memory_space<vmem_shared>>, %arg6: memref<5120xi32, #tpu.memory_space<vmem>>, %arg7: memref<5120xi32, #tpu.memory_space<vmem>>, %arg8: memref<2x80x128xf32, #tpu.memory_space<vmem>>, %arg9: memref<32x128xf32, #tpu.memory_space<vmem>>, %arg10: memref<!tpu.dma_semaphore, #tpu.memory_space<semaphore_mem>>, %arg11: memref<!tpu.dma_semaphore, #tpu.memory_space<semaphore_mem>>) attributes {dimension_semantics = [#tpu.dimension_semantics<core_parallel>, #tpu.dimension_semantics<subcore_parallel>], iteration_bounds = array<i64: 2, 16>, scalar_prefetch = 0 : i64, scratch_operands = 7 : i64, tpu.core_type = #tpu.core_type<sc_vector_subcore>, window_params = [{transform_indices = #map}, {transform_indices = #map1}, {transform_indices = #map2}]} {
    %mul3A = arith.constant 2 : i32
    %mul3A_0 = arith.muli %arg1, %mul3A : i32
    %add3A = arith.addi %mul3A_0, %arg0 : i32
    %scan3A = arith.constant 0 : i32
    %scan3A_1 = arith.constant 0 : i32
    %scan3A_2 = arith.constant 32 : i32
    %scan3A_3 = arith.addi %scan3A_1, %scan3A_2 : i32
    %scan3A_4 = arith.constant 1 : i32
    %scan3A_5 = scf.for %scan3A_349 = %scan3A_1 to %scan3A_3 step %scan3A_4 iter_args(%scan3A_350 = %scan3A) -> (i32)  : i32 {
      %broadcast_in_dim3A = arith.constant 0.000000e+00 : f32
      %broadcast_in_dim3A_351 = vector.broadcast %broadcast_in_dim3A : f32 to vector<16xf32>
      %swap3A = arith.index_cast %scan3A_349 : i32 to index
      %swap3A_352 = arith.constant 0 : index
      %swap3A_353 = tpu.vector_load %arg9[%swap3A, %swap3A_352] {strides = array<i32>} : memref<32x128xf32, #tpu.memory_space<vmem>>, vector<1x16xf32>,
      %swap3A_354 = vector.shape_cast %swap3A_353 : vector<1x16xf32> to vector<16xf32>
      %swap3A_355 = vector.shape_cast %broadcast_in_dim3A_351 : vector<16xf32> to vector<1x16xf32>
      tpu.vector_store %arg9[%swap3A, %swap3A_352], %swap3A_355 {strides = array<i32>} : memref<32x128xf32, #tpu.memory_space<vmem>>, vector<1x16xf32>,
      %broadcast_in_dim3A_356 = arith.constant 0.000000e+00 : f32
      %broadcast_in_dim3A_357 = vector.broadcast %broadcast_in_dim3A_356 : f32 to vector<16xf32>
      %swap3A_358 = arith.index_cast %scan3A_349 : i32 to index
      %swap3A_359 = arith.constant 16 : index
      %swap3A_360 = tpu.vector_load %arg9[%swap3A_358, %swap3A_359] {strides = array<i32>} : memref<32x128xf32, #tpu.memory_space<vmem>>, vector<1x16xf32>,
      %swap3A_361 = vector.shape_cast %swap3A_360 : vector<1x16xf32> to vector<16xf32>
      %swap3A_362 = vector.shape_cast %broadcast_in_dim3A_357 : vector<16xf32> to vector<1x16xf32>
      tpu.vector_store %arg9[%swap3A_358, %swap3A_359], %swap3A_362 {strides = array<i32>} : memref<32x128xf32, #tpu.memory_space<vmem>>, vector<1x16xf32>,
      %broadcast_in_dim3A_363 = arith.constant 0.000000e+00 : f32
      %broadcast_in_dim3A_364 = vector.broadcast %broadcast_in_dim3A_363 : f32 to vector<16xf32>
      %swap3A_365 = arith.index_cast %scan3A_349 : i32 to index
      %swap3A_366 = arith.constant 32 : index
      %swap3A_367 = tpu.vector_load %arg9[%swap3A_365, %swap3A_366] {strides = array<i32>} : memref<32x128xf32, #tpu.memory_space<vmem>>, vector<1x16xf32>,
      %swap3A_368 = vector.shape_cast %swap3A_367 : vector<1x16xf32> to vector<16xf32>
      %swap3A_369 = vector.shape_cast %broadcast_in_dim3A_364 : vector<16xf32> to vector<1x16xf32>
      tpu.vector_store %arg9[%swap3A_365, %swap3A_366], %swap3A_369 {strides = array<i32>} : memref<32x128xf32, #tpu.memory_space<vmem>>, vector<1x16xf32>,
      %broadcast_in_dim3A_370 = arith.constant 0.000000e+00 : f32
      %broadcast_in_dim3A_371 = vector.broadcast %broadcast_in_dim3A_370 : f32 to vector<16xf32>
      %swap3A_372 = arith.index_cast %scan3A_349 : i32 to index
      %swap3A_373 = arith.constant 48 : index
      %swap3A_374 = tpu.vector_load %arg9[%swap3A_372, %swap3A_373] {strides = array<i32>} : memref<32x128xf32, #tpu.memory_space<vmem>>, vector<1x16xf32>,
      %swap3A_375 = vector.shape_cast %swap3A_374 : vector<1x16xf32> to vector<16xf32>
      %swap3A_376 = vector.shape_cast %broadcast_in_dim3A_371 : vector<16xf32> to vector<1x16xf32>
      tpu.vector_store %arg9[%swap3A_372, %swap3A_373], %swap3A_376 {strides = array<i32>} : memref<32x128xf32, #tpu.memory_space<vmem>>, vector<1x16xf32>,
      %broadcast_in_dim3A_377 = arith.constant 0.000000e+00 : f32
      %broadcast_in_dim3A_378 = vector.broadcast %broadcast_in_dim3A_377 : f32 to vector<16xf32>
      %swap3A_379 = arith.index_cast %scan3A_349 : i32 to index
      %swap3A_380 = arith.constant 64 : index
      %swap3A_381 = tpu.vector_load %arg9[%swap3A_379, %swap3A_380] {strides = array<i32>} : memref<32x128xf32, #tpu.memory_space<vmem>>, vector<1x16xf32>,
      %swap3A_382 = vector.shape_cast %swap3A_381 : vector<1x16xf32> to vector<16xf32>
      %swap3A_383 = vector.shape_cast %broadcast_in_dim3A_378 : vector<16xf32> to vector<1x16xf32>
      tpu.vector_store %arg9[%swap3A_379, %swap3A_380], %swap3A_383 {strides = array<i32>} : memref<32x128xf32, #tpu.memory_space<vmem>>, vector<1x16xf32>,
      %broadcast_in_dim3A_384 = arith.constant 0.000000e+00 : f32
      %broadcast_in_dim3A_385 = vector.broadcast %broadcast_in_dim3A_384 : f32 to vector<16xf32>
      %swap3A_386 = arith.index_cast %scan3A_349 : i32 to index
      %swap3A_387 = arith.constant 80 : index
      %swap3A_388 = tpu.vector_load %arg9[%swap3A_386, %swap3A_387] {strides = array<i32>} : memref<32x128xf32, #tpu.memory_space<vmem>>, vector<1x16xf32>,
      %swap3A_389 = vector.shape_cast %swap3A_388 : vector<1x16xf32> to vector<16xf32>
      %swap3A_390 = vector.shape_cast %broadcast_in_dim3A_385 : vector<16xf32> to vector<1x16xf32>
      tpu.vector_store %arg9[%swap3A_386, %swap3A_387], %swap3A_390 {strides = array<i32>} : memref<32x128xf32, #tpu.memory_space<vmem>>, vector<1x16xf32>,
      %broadcast_in_dim3A_391 = arith.constant 0.000000e+00 : f32
      %broadcast_in_dim3A_392 = vector.broadcast %broadcast_in_dim3A_391 : f32 to vector<16xf32>
      %swap3A_393 = arith.index_cast %scan3A_349 : i32 to index
      %swap3A_394 = arith.constant 96 : index
      %swap3A_395 = tpu.vector_load %arg9[%swap3A_393, %swap3A_394] {strides = array<i32>} : memref<32x128xf32, #tpu.memory_space<vmem>>, vector<1x16xf32>,
      %swap3A_396 = vector.shape_cast %swap3A_395 : vector<1x16xf32> to vector<16xf32>
      %swap3A_397 = vector.shape_cast %broadcast_in_dim3A_392 : vector<16xf32> to vector<1x16xf32>
      tpu.vector_store %arg9[%swap3A_393, %swap3A_394], %swap3A_397 {strides = array<i32>} : memref<32x128xf32, #tpu.memory_space<vmem>>, vector<1x16xf32>,
      %broadcast_in_dim3A_398 = arith.constant 0.000000e+00 : f32
      %broadcast_in_dim3A_399 = vector.broadcast %broadcast_in_dim3A_398 : f32 to vector<16xf32>
      %swap3A_400 = arith.index_cast %scan3A_349 : i32 to index
      %swap3A_401 = arith.constant 112 : index
      %swap3A_402 = tpu.vector_load %arg9[%swap3A_400, %swap3A_401] {strides = array<i32>} : memref<32x128xf32, #tpu.memory_space<vmem>>, vector<1x16xf32>,
      %swap3A_403 = vector.shape_cast %swap3A_402 : vector<1x16xf32> to vector<16xf32>
      %swap3A_404 = vector.shape_cast %broadcast_in_dim3A_399 : vector<16xf32> to vector<1x16xf32>
      tpu.vector_store %arg9[%swap3A_400, %swap3A_401], %swap3A_404 {strides = array<i32>} : memref<32x128xf32, #tpu.memory_space<vmem>>, vector<1x16xf32>,
      %scan3A_405 = arith.constant 0 : i32
      scf.yield %scan3A_405 : i32
    }
    %scan3A_6 = arith.constant 32 : i32
    %mul3A_7 = arith.constant 640 : i32
    %mul3A_8 = arith.muli %arg1, %mul3A_7 : i32
    %add3A_9 = arith.constant 0 : i32
    %add3A_10 = arith.addi %mul3A_8, %add3A_9 : i32
    %dma_start3A = arith.constant 0 : i32
    %dma_start3A_11 = tpu.memref_slice %arg5[%add3A_10, %dma_start3A] : memref<10240x128xf32, #tpu.memory_space<vmem_shared>> -> memref<32x128xf32, #tpu.memory_space<vmem_shared>>
    %dma_start3A_12 = arith.constant 0 : i32
    %dma_start3A_13 = tpu.memref_slice %arg5[%add3A_10, %dma_start3A_12] : memref<10240x128xf32, #tpu.memory_space<vmem_shared>> -> memref<32x128xf32, #tpu.memory_space<vmem_shared>>
    tpu.enqueue_dma source(%arg9 : memref<32x128xf32, #tpu.memory_space<vmem>>) target(%dma_start3A_13 : memref<32x128xf32, #tpu.memory_space<vmem_shared>>) target_semaphore(%arg11 : memref<!tpu.dma_semaphore, #tpu.memory_space<semaphore_mem>>)
    %add3A_14 = arith.constant 32 : i32
    %add3A_15 = arith.addi %mul3A_8, %add3A_14 : i32
    %dma_start3A_16 = arith.constant 0 : i32
    %dma_start3A_17 = tpu.memref_slice %arg5[%add3A_15, %dma_start3A_16] : memref<10240x128xf32, #tpu.memory_space<vmem_shared>> -> memref<32x128xf32, #tpu.memory_space<vmem_shared>>
    %dma_start3A_18 = arith.constant 0 : i32
    %dma_start3A_19 = tpu.memref_slice %arg5[%add3A_15, %dma_start3A_18] : memref<10240x128xf32, #tpu.memory_space<vmem_shared>> -> memref<32x128xf32, #tpu.memory_space<vmem_shared>>
    tpu.enqueue_dma source(%arg9 : memref<32x128xf32, #tpu.memory_space<vmem>>) target(%dma_start3A_19 : memref<32x128xf32, #tpu.memory_space<vmem_shared>>) target_semaphore(%arg11 : memref<!tpu.dma_semaphore, #tpu.memory_space<semaphore_mem>>)
    %add3A_20 = arith.constant 64 : i32
    %add3A_21 = arith.addi %mul3A_8, %add3A_20 : i32
    %dma_start3A_22 = arith.constant 0 : i32
    %dma_start3A_23 = tpu.memref_slice %arg5[%add3A_21, %dma_start3A_22] : memref<10240x128xf32, #tpu.memory_space<vmem_shared>> -> memref<32x128xf32, #tpu.memory_space<vmem_shared>>
    %dma_start3A_24 = arith.constant 0 : i32
    %dma_start3A_25 = tpu.memref_slice %arg5[%add3A_21, %dma_start3A_24] : memref<10240x128xf32, #tpu.memory_space<vmem_shared>> -> memref<32x128xf32, #tpu.memory_space<vmem_shared>>
    tpu.enqueue_dma source(%arg9 : memref<32x128xf32, #tpu.memory_space<vmem>>) target(%dma_start3A_25 : memref<32x128xf32, #tpu.memory_space<vmem_shared>>) target_semaphore(%arg11 : memref<!tpu.dma_semaphore, #tpu.memory_space<semaphore_mem>>)
    %add3A_26 = arith.constant 96 : i32
    %add3A_27 = arith.addi %mul3A_8, %add3A_26 : i32
    %dma_start3A_28 = arith.constant 0 : i32
    %dma_start3A_29 = tpu.memref_slice %arg5[%add3A_27, %dma_start3A_28] : memref<10240x128xf32, #tpu.memory_space<vmem_shared>> -> memref<32x128xf32, #tpu.memory_space<vmem_shared>>
    %dma_start3A_30 = arith.constant 0 : i32
    %dma_start3A_31 = tpu.memref_slice %arg5[%add3A_27, %dma_start3A_30] : memref<10240x128xf32, #tpu.memory_space<vmem_shared>> -> memref<32x128xf32, #tpu.memory_space<vmem_shared>>
    tpu.enqueue_dma source(%arg9 : memref<32x128xf32, #tpu.memory_space<vmem>>) target(%dma_start3A_31 : memref<32x128xf32, #tpu.memory_space<vmem_shared>>) target_semaphore(%arg11 : memref<!tpu.dma_semaphore, #tpu.memory_space<semaphore_mem>>)
    %add3A_32 = arith.constant 128 : i32
    %add3A_33 = arith.addi %mul3A_8, %add3A_32 : i32
    %dma_start3A_34 = arith.constant 0 : i32
    %dma_start3A_35 = tpu.memref_slice %arg5[%add3A_33, %dma_start3A_34] : memref<10240x128xf32, #tpu.memory_space<vmem_shared>> -> memref<32x128xf32, #tpu.memory_space<vmem_shared>>
    %dma_start3A_36 = arith.constant 0 : i32
    %dma_start3A_37 = tpu.memref_slice %arg5[%add3A_33, %dma_start3A_36] : memref<10240x128xf32, #tpu.memory_space<vmem_shared>> -> memref<32x128xf32, #tpu.memory_space<vmem_shared>>
    tpu.enqueue_dma source(%arg9 : memref<32x128xf32, #tpu.memory_space<vmem>>) target(%dma_start3A_37 : memref<32x128xf32, #tpu.memory_space<vmem_shared>>) target_semaphore(%arg11 : memref<!tpu.dma_semaphore, #tpu.memory_space<semaphore_mem>>)
    %add3A_38 = arith.constant 160 : i32
    %add3A_39 = arith.addi %mul3A_8, %add3A_38 : i32
    %dma_start3A_40 = arith.constant 0 : i32
    %dma_start3A_41 = tpu.memref_slice %arg5[%add3A_39, %dma_start3A_40] : memref<10240x128xf32, #tpu.memory_space<vmem_shared>> -> memref<32x128xf32, #tpu.memory_space<vmem_shared>>
    %dma_start3A_42 = arith.constant 0 : i32
    %dma_start3A_43 = tpu.memref_slice %arg5[%add3A_39, %dma_start3A_42] : memref<10240x128xf32, #tpu.memory_space<vmem_shared>> -> memref<32x128xf32, #tpu.memory_space<vmem_shared>>
    tpu.enqueue_dma source(%arg9 : memref<32x128xf32, #tpu.memory_space<vmem>>) target(%dma_start3A_43 : memref<32x128xf32, #tpu.memory_space<vmem_shared>>) target_semaphore(%arg11 : memref<!tpu.dma_semaphore, #tpu.memory_space<semaphore_mem>>)
    %add3A_44 = arith.constant 192 : i32
    %add3A_45 = arith.addi %mul3A_8, %add3A_44 : i32
    %dma_start3A_46 = arith.constant 0 : i32
    %dma_start3A_47 = tpu.memref_slice %arg5[%add3A_45, %dma_start3A_46] : memref<10240x128xf32, #tpu.memory_space<vmem_shared>> -> memref<32x128xf32, #tpu.memory_space<vmem_shared>>
    %dma_start3A_48 = arith.constant 0 : i32
    %dma_start3A_49 = tpu.memref_slice %arg5[%add3A_45, %dma_start3A_48] : memref<10240x128xf32, #tpu.memory_space<vmem_shared>> -> memref<32x128xf32, #tpu.memory_space<vmem_shared>>
    tpu.enqueue_dma source(%arg9 : memref<32x128xf32, #tpu.memory_space<vmem>>) target(%dma_start3A_49 : memref<32x128xf32, #tpu.memory_space<vmem_shared>>) target_semaphore(%arg11 : memref<!tpu.dma_semaphore, #tpu.memory_space<semaphore_mem>>)
    %add3A_50 = arith.constant 224 : i32
    %add3A_51 = arith.addi %mul3A_8, %add3A_50 : i32
    %dma_start3A_52 = arith.constant 0 : i32
    %dma_start3A_53 = tpu.memref_slice %arg5[%add3A_51, %dma_start3A_52] : memref<10240x128xf32, #tpu.memory_space<vmem_shared>> -> memref<32x128xf32, #tpu.memory_space<vmem_shared>>
    %dma_start3A_54 = arith.constant 0 : i32
    %dma_start3A_55 = tpu.memref_slice %arg5[%add3A_51, %dma_start3A_54] : memref<10240x128xf32, #tpu.memory_space<vmem_shared>> -> memref<32x128xf32, #tpu.memory_space<vmem_shared>>
    tpu.enqueue_dma source(%arg9 : memref<32x128xf32, #tpu.memory_space<vmem>>) target(%dma_start3A_55 : memref<32x128xf32, #tpu.memory_space<vmem_shared>>) target_semaphore(%arg11 : memref<!tpu.dma_semaphore, #tpu.memory_space<semaphore_mem>>)
    %add3A_56 = arith.constant 256 : i32
    %add3A_57 = arith.addi %mul3A_8, %add3A_56 : i32
    %dma_start3A_58 = arith.constant 0 : i32
    %dma_start3A_59 = tpu.memref_slice %arg5[%add3A_57, %dma_start3A_58] : memref<10240x128xf32, #tpu.memory_space<vmem_shared>> -> memref<32x128xf32, #tpu.memory_space<vmem_shared>>
    %dma_start3A_60 = arith.constant 0 : i32
    %dma_start3A_61 = tpu.memref_slice %arg5[%add3A_57, %dma_start3A_60] : memref<10240x128xf32, #tpu.memory_space<vmem_shared>> -> memref<32x128xf32, #tpu.memory_space<vmem_shared>>
    tpu.enqueue_dma source(%arg9 : memref<32x128xf32, #tpu.memory_space<vmem>>) target(%dma_start3A_61 : memref<32x128xf32, #tpu.memory_space<vmem_shared>>) target_semaphore(%arg11 : memref<!tpu.dma_semaphore, #tpu.memory_space<semaphore_mem>>)
    %add3A_62 = arith.constant 288 : i32
    %add3A_63 = arith.addi %mul3A_8, %add3A_62 : i32
    %dma_start3A_64 = arith.constant 0 : i32
    %dma_start3A_65 = tpu.memref_slice %arg5[%add3A_63, %dma_start3A_64] : memref<10240x128xf32, #tpu.memory_space<vmem_shared>> -> memref<32x128xf32, #tpu.memory_space<vmem_shared>>
    %dma_start3A_66 = arith.constant 0 : i32
    %dma_start3A_67 = tpu.memref_slice %arg5[%add3A_63, %dma_start3A_66] : memref<10240x128xf32, #tpu.memory_space<vmem_shared>> -> memref<32x128xf32, #tpu.memory_space<vmem_shared>>
    tpu.enqueue_dma source(%arg9 : memref<32x128xf32, #tpu.memory_space<vmem>>) target(%dma_start3A_67 : memref<32x128xf32, #tpu.memory_space<vmem_shared>>) target_semaphore(%arg11 : memref<!tpu.dma_semaphore, #tpu.memory_space<semaphore_mem>>)
    %add3A_68 = arith.constant 320 : i32
    %add3A_69 = arith.addi %mul3A_8, %add3A_68 : i32
    %dma_start3A_70 = arith.constant 0 : i32
    %dma_start3A_71 = tpu.memref_slice %arg5[%add3A_69, %dma_start3A_70] : memref<10240x128xf32, #tpu.memory_space<vmem_shared>> -> memref<32x128xf32, #tpu.memory_space<vmem_shared>>
    %dma_start3A_72 = arith.constant 0 : i32
    %dma_start3A_73 = tpu.memref_slice %arg5[%add3A_69, %dma_start3A_72] : memref<10240x128xf32, #tpu.memory_space<vmem_shared>> -> memref<32x128xf32, #tpu.memory_space<vmem_shared>>
    tpu.enqueue_dma source(%arg9 : memref<32x128xf32, #tpu.memory_space<vmem>>) target(%dma_start3A_73 : memref<32x128xf32, #tpu.memory_space<vmem_shared>>) target_semaphore(%arg11 : memref<!tpu.dma_semaphore, #tpu.memory_space<semaphore_mem>>)
    %add3A_74 = arith.constant 352 : i32
    %add3A_75 = arith.addi %mul3A_8, %add3A_74 : i32
    %dma_start3A_76 = arith.constant 0 : i32
    %dma_start3A_77 = tpu.memref_slice %arg5[%add3A_75, %dma_start3A_76] : memref<10240x128xf32, #tpu.memory_space<vmem_shared>> -> memref<32x128xf32, #tpu.memory_space<vmem_shared>>
    %dma_start3A_78 = arith.constant 0 : i32
    %dma_start3A_79 = tpu.memref_slice %arg5[%add3A_75, %dma_start3A_78] : memref<10240x128xf32, #tpu.memory_space<vmem_shared>> -> memref<32x128xf32, #tpu.memory_space<vmem_shared>>
    tpu.enqueue_dma source(%arg9 : memref<32x128xf32, #tpu.memory_space<vmem>>) target(%dma_start3A_79 : memref<32x128xf32, #tpu.memory_space<vmem_shared>>) target_semaphore(%arg11 : memref<!tpu.dma_semaphore, #tpu.memory_space<semaphore_mem>>)
    %add3A_80 = arith.constant 384 : i32
    %add3A_81 = arith.addi %mul3A_8, %add3A_80 : i32
    %dma_start3A_82 = arith.constant 0 : i32
    %dma_start3A_83 = tpu.memref_slice %arg5[%add3A_81, %dma_start3A_82] : memref<10240x128xf32, #tpu.memory_space<vmem_shared>> -> memref<32x128xf32, #tpu.memory_space<vmem_shared>>
    %dma_start3A_84 = arith.constant 0 : i32
    %dma_start3A_85 = tpu.memref_slice %arg5[%add3A_81, %dma_start3A_84] : memref<10240x128xf32, #tpu.memory_space<vmem_shared>> -> memref<32x128xf32, #tpu.memory_space<vmem_shared>>
    tpu.enqueue_dma source(%arg9 : memref<32x128xf32, #tpu.memory_space<vmem>>) target(%dma_start3A_85 : memref<32x128xf32, #tpu.memory_space<vmem_shared>>) target_semaphore(%arg11 : memref<!tpu.dma_semaphore, #tpu.memory_space<semaphore_mem>>)
    %add3A_86 = arith.constant 416 : i32
    %add3A_87 = arith.addi %mul3A_8, %add3A_86 : i32
    %dma_start3A_88 = arith.constant 0 : i32
    %dma_start3A_89 = tpu.memref_slice %arg5[%add3A_87, %dma_start3A_88] : memref<10240x128xf32, #tpu.memory_space<vmem_shared>> -> memref<32x128xf32, #tpu.memory_space<vmem_shared>>
    %dma_start3A_90 = arith.constant 0 : i32
    %dma_start3A_91 = tpu.memref_slice %arg5[%add3A_87, %dma_start3A_90] : memref<10240x128xf32, #tpu.memory_space<vmem_shared>> -> memref<32x128xf32, #tpu.memory_space<vmem_shared>>
    tpu.enqueue_dma source(%arg9 : memref<32x128xf32, #tpu.memory_space<vmem>>) target(%dma_start3A_91 : memref<32x128xf32, #tpu.memory_space<vmem_shared>>) target_semaphore(%arg11 : memref<!tpu.dma_semaphore, #tpu.memory_space<semaphore_mem>>)
    %add3A_92 = arith.constant 448 : i32
    %add3A_93 = arith.addi %mul3A_8, %add3A_92 : i32
    %dma_start3A_94 = arith.constant 0 : i32
    %dma_start3A_95 = tpu.memref_slice %arg5[%add3A_93, %dma_start3A_94] : memref<10240x128xf32, #tpu.memory_space<vmem_shared>> -> memref<32x128xf32, #tpu.memory_space<vmem_shared>>
    %dma_start3A_96 = arith.constant 0 : i32
    %dma_start3A_97 = tpu.memref_slice %arg5[%add3A_93, %dma_start3A_96] : memref<10240x128xf32, #tpu.memory_space<vmem_shared>> -> memref<32x128xf32, #tpu.memory_space<vmem_shared>>
    tpu.enqueue_dma source(%arg9 : memref<32x128xf32, #tpu.memory_space<vmem>>) target(%dma_start3A_97 : memref<32x128xf32, #tpu.memory_space<vmem_shared>>) target_semaphore(%arg11 : memref<!tpu.dma_semaphore, #tpu.memory_space<semaphore_mem>>)
    %add3A_98 = arith.constant 480 : i32
    %add3A_99 = arith.addi %mul3A_8, %add3A_98 : i32
    %dma_start3A_100 = arith.constant 0 : i32
    %dma_start3A_101 = tpu.memref_slice %arg5[%add3A_99, %dma_start3A_100] : memref<10240x128xf32, #tpu.memory_space<vmem_shared>> -> memref<32x128xf32, #tpu.memory_space<vmem_shared>>
    %dma_start3A_102 = arith.constant 0 : i32
    %dma_start3A_103 = tpu.memref_slice %arg5[%add3A_99, %dma_start3A_102] : memref<10240x128xf32, #tpu.memory_space<vmem_shared>> -> memref<32x128xf32, #tpu.memory_space<vmem_shared>>
    tpu.enqueue_dma source(%arg9 : memref<32x128xf32, #tpu.memory_space<vmem>>) target(%dma_start3A_103 : memref<32x128xf32, #tpu.memory_space<vmem_shared>>) target_semaphore(%arg11 : memref<!tpu.dma_semaphore, #tpu.memory_space<semaphore_mem>>)
    %add3A_104 = arith.constant 512 : i32
    %add3A_105 = arith.addi %mul3A_8, %add3A_104 : i32
    %dma_start3A_106 = arith.constant 0 : i32
    %dma_start3A_107 = tpu.memref_slice %arg5[%add3A_105, %dma_start3A_106] : memref<10240x128xf32, #tpu.memory_space<vmem_shared>> -> memref<32x128xf32, #tpu.memory_space<vmem_shared>>
    %dma_start3A_108 = arith.constant 0 : i32
    %dma_start3A_109 = tpu.memref_slice %arg5[%add3A_105, %dma_start3A_108] : memref<10240x128xf32, #tpu.memory_space<vmem_shared>> -> memref<32x128xf32, #tpu.memory_space<vmem_shared>>
    tpu.enqueue_dma source(%arg9 : memref<32x128xf32, #tpu.memory_space<vmem>>) target(%dma_start3A_109 : memref<32x128xf32, #tpu.memory_space<vmem_shared>>) target_semaphore(%arg11 : memref<!tpu.dma_semaphore, #tpu.memory_space<semaphore_mem>>)
    %add3A_110 = arith.constant 544 : i32
    %add3A_111 = arith.addi %mul3A_8, %add3A_110 : i32
    %dma_start3A_112 = arith.constant 0 : i32
    %dma_start3A_113 = tpu.memref_slice %arg5[%add3A_111, %dma_start3A_112] : memref<10240x128xf32, #tpu.memory_space<vmem_shared>> -> memref<32x128xf32, #tpu.memory_space<vmem_shared>>
    %dma_start3A_114 = arith.constant 0 : i32
    %dma_start3A_115 = tpu.memref_slice %arg5[%add3A_111, %dma_start3A_114] : memref<10240x128xf32, #tpu.memory_space<vmem_shared>> -> memref<32x128xf32, #tpu.memory_space<vmem_shared>>
    tpu.enqueue_dma source(%arg9 : memref<32x128xf32, #tpu.memory_space<vmem>>) target(%dma_start3A_115 : memref<32x128xf32, #tpu.memory_space<vmem_shared>>) target_semaphore(%arg11 : memref<!tpu.dma_semaphore, #tpu.memory_space<semaphore_mem>>)
    %add3A_116 = arith.constant 576 : i32
    %add3A_117 = arith.addi %mul3A_8, %add3A_116 : i32
    %dma_start3A_118 = arith.constant 0 : i32
    %dma_start3A_119 = tpu.memref_slice %arg5[%add3A_117, %dma_start3A_118] : memref<10240x128xf32, #tpu.memory_space<vmem_shared>> -> memref<32x128xf32, #tpu.memory_space<vmem_shared>>
    %dma_start3A_120 = arith.constant 0 : i32
    %dma_start3A_121 = tpu.memref_slice %arg5[%add3A_117, %dma_start3A_120] : memref<10240x128xf32, #tpu.memory_space<vmem_shared>> -> memref<32x128xf32, #tpu.memory_space<vmem_shared>>
    tpu.enqueue_dma source(%arg9 : memref<32x128xf32, #tpu.memory_space<vmem>>) target(%dma_start3A_121 : memref<32x128xf32, #tpu.memory_space<vmem_shared>>) target_semaphore(%arg11 : memref<!tpu.dma_semaphore, #tpu.memory_space<semaphore_mem>>)
    %add3A_122 = arith.constant 608 : i32
    %add3A_123 = arith.addi %mul3A_8, %add3A_122 : i32
    %dma_start3A_124 = arith.constant 0 : i32
    %dma_start3A_125 = tpu.memref_slice %arg5[%add3A_123, %dma_start3A_124] : memref<10240x128xf32, #tpu.memory_space<vmem_shared>> -> memref<32x128xf32, #tpu.memory_space<vmem_shared>>
    %dma_start3A_126 = arith.constant 0 : i32
    %dma_start3A_127 = tpu.memref_slice %arg5[%add3A_123, %dma_start3A_126] : memref<10240x128xf32, #tpu.memory_space<vmem_shared>> -> memref<32x128xf32, #tpu.memory_space<vmem_shared>>
    tpu.enqueue_dma source(%arg9 : memref<32x128xf32, #tpu.memory_space<vmem>>) target(%dma_start3A_127 : memref<32x128xf32, #tpu.memory_space<vmem_shared>>) target_semaphore(%arg11 : memref<!tpu.dma_semaphore, #tpu.memory_space<semaphore_mem>>)
    %mul3A_128 = arith.constant 10000 : i32
    %mul3A_129 = arith.muli %add3A, %mul3A_128 : i32
    "tpu.region"() ({
      %run_scoped3A = tpu.sem_alloc : memref<!tpu.dma_semaphore, #tpu.memory_space<semaphore_mem>>
      %dma_start3A_349 = tpu.memref_slice %arg3[%mul3A_129] : memref<640000xi32, #tpu.memory_space<hbm>> -> memref<5120xi32, #tpu.memory_space<hbm>>
      %dma_start3A_350 = tpu.memref_slice %arg3[%mul3A_129] : memref<640000xi32, #tpu.memory_space<hbm>> -> memref<5120xi32, #tpu.memory_space<hbm>>
      tpu.enqueue_dma source(%dma_start3A_350 : memref<5120xi32, #tpu.memory_space<hbm>>) target(%arg6 : memref<5120xi32, #tpu.memory_space<vmem>>) target_semaphore(%run_scoped3A : memref<!tpu.dma_semaphore, #tpu.memory_space<semaphore_mem>>)
      %dma_wait3A_351 = tpu.memref_slice %arg3[%mul3A_129] : memref<640000xi32, #tpu.memory_space<hbm>> -> memref<5120xi32, #tpu.memory_space<hbm>>
      %dma_wait3A_352 = tpu.memref_slice %arg3[%mul3A_129] : memref<640000xi32, #tpu.memory_space<hbm>> -> memref<5120xi32, #tpu.memory_space<hbm>>
      tpu.wait_dma2 semaphore(%run_scoped3A : memref<!tpu.dma_semaphore, #tpu.memory_space<semaphore_mem>>) src(%dma_wait3A_352 : memref<5120xi32, #tpu.memory_space<hbm>>) dst(%arg6 : memref<5120xi32, #tpu.memory_space<vmem>>)
      tpu.yield
    }) : () -> ()
    %add3A_130 = arith.constant 320000 : i32
    %add3A_131 = arith.addi %add3A_130, %mul3A_129 : i32
    "tpu.region"() ({
      %run_scoped3A = tpu.sem_alloc : memref<!tpu.dma_semaphore, #tpu.memory_space<semaphore_mem>>
      %dma_start3A_349 = tpu.memref_slice %arg3[%add3A_131] : memref<640000xi32, #tpu.memory_space<hbm>> -> memref<5120xi32, #tpu.memory_space<hbm>>
      %dma_start3A_350 = tpu.memref_slice %arg3[%add3A_131] : memref<640000xi32, #tpu.memory_space<hbm>> -> memref<5120xi32, #tpu.memory_space<hbm>>
      tpu.enqueue_dma source(%dma_start3A_350 : memref<5120xi32, #tpu.memory_space<hbm>>) target(%arg7 : memref<5120xi32, #tpu.memory_space<vmem>>) target_semaphore(%run_scoped3A : memref<!tpu.dma_semaphore, #tpu.memory_space<semaphore_mem>>)
      %dma_wait3A_351 = tpu.memref_slice %arg3[%add3A_131] : memref<640000xi32, #tpu.memory_space<hbm>> -> memref<5120xi32, #tpu.memory_space<hbm>>
      %dma_wait3A_352 = tpu.memref_slice %arg3[%add3A_131] : memref<640000xi32, #tpu.memory_space<hbm>> -> memref<5120xi32, #tpu.memory_space<hbm>>
      tpu.wait_dma2 semaphore(%run_scoped3A : memref<!tpu.dma_semaphore, #tpu.memory_space<semaphore_mem>>) src(%dma_wait3A_352 : memref<5120xi32, #tpu.memory_space<hbm>>) dst(%arg7 : memref<5120xi32, #tpu.memory_space<vmem>>)
      tpu.yield
    }) : () -> ()
    %dma_start3A_132 = arith.constant 0 : i32
    %dma_start3A_133 = arith.constant 0 : i32
    %dma_start3A_134 = arith.constant 0 : i32
    %dma_start3A_135 = tpu.memref_slice %arg8[%dma_start3A_132, %dma_start3A_133, %dma_start3A_134] : memref<2x80x128xf32, #tpu.memory_space<vmem>> -> memref<1x80x128xf32, #tpu.memory_space<vmem>>
    %dma_start3A_136 = tpu.memref_squeeze %dma_start3A_135 : memref<1x80x128xf32, #tpu.memory_space<vmem>> -> memref<80x128xf32, #tpu.memory_space<vmem>>
    %dma_start3A_137 = arith.constant 0 : i32
    %dma_start3A_138 = tpu.memref_slice %arg6[%dma_start3A_137] : memref<5120xi32, #tpu.memory_space<vmem>> -> memref<80xi32, #tpu.memory_space<vmem>>
    %dma_start3A_139 = arith.constant 0 : i32
    %dma_start3A_140 = arith.constant 0 : i32
    %dma_start3A_141 = tpu.memref_slice %arg2[%dma_start3A_139, %dma_start3A_140] : memref<10000x128xf32, #tpu.memory_space<hbm>> -> memref<10000x128xf32, #tpu.memory_space<hbm>>
    tpu.enqueue_indirect_dma source(%dma_start3A_141 : memref<10000x128xf32, #tpu.memory_space<hbm>>) target(%dma_start3A_136 : memref<80x128xf32, #tpu.memory_space<vmem>>) offsets(%dma_start3A_138 : memref<80xi32, #tpu.memory_space<vmem>>) semaphore(%arg10 : memref<!tpu.dma_semaphore, #tpu.memory_space<semaphore_mem>>)
    %dma_wait3A = arith.constant 0 : i32
    %dma_wait3A_142 = tpu.memref_slice %arg5[%mul3A_8, %dma_wait3A] : memref<10240x128xf32, #tpu.memory_space<vmem_shared>> -> memref<32x128xf32, #tpu.memory_space<vmem_shared>>
    %dma_wait3A_143 = arith.constant 0 : i32
    %dma_wait3A_144 = tpu.memref_slice %arg5[%mul3A_8, %dma_wait3A_143] : memref<10240x128xf32, #tpu.memory_space<vmem_shared>> -> memref<32x128xf32, #tpu.memory_space<vmem_shared>>
    tpu.wait_dma2 semaphore(%arg11 : memref<!tpu.dma_semaphore, #tpu.memory_space<semaphore_mem>>) src(%arg9 : memref<32x128xf32, #tpu.memory_space<vmem>>) dst(%dma_wait3A_144 : memref<32x128xf32, #tpu.memory_space<vmem_shared>>)
    %dma_wait3A_145 = arith.constant 0 : i32
    %dma_wait3A_146 = tpu.memref_slice %arg5[%mul3A_8, %dma_wait3A_145] : memref<10240x128xf32, #tpu.memory_space<vmem_shared>> -> memref<32x128xf32, #tpu.memory_space<vmem_shared>>
    %dma_wait3A_147 = arith.constant 0 : i32
    %dma_wait3A_148 = tpu.memref_slice %arg5[%mul3A_8, %dma_wait3A_147] : memref<10240x128xf32, #tpu.memory_space<vmem_shared>> -> memref<32x128xf32, #tpu.memory_space<vmem_shared>>
    tpu.wait_dma2 semaphore(%arg11 : memref<!tpu.dma_semaphore, #tpu.memory_space<semaphore_mem>>) src(%arg9 : memref<32x128xf32, #tpu.memory_space<vmem>>) dst(%dma_wait3A_148 : memref<32x128xf32, #tpu.memory_space<vmem_shared>>)
    %dma_wait3A_149 = arith.constant 0 : i32
    %dma_wait3A_150 = tpu.memref_slice %arg5[%mul3A_8, %dma_wait3A_149] : memref<10240x128xf32, #tpu.memory_space<vmem_shared>> -> memref<32x128xf32, #tpu.memory_space<vmem_shared>>
    %dma_wait3A_151 = arith.constant 0 : i32
    %dma_wait3A_152 = tpu.memref_slice %arg5[%mul3A_8, %dma_wait3A_151] : memref<10240x128xf32, #tpu.memory_space<vmem_shared>> -> memref<32x128xf32, #tpu.memory_space<vmem_shared>>
    tpu.wait_dma2 semaphore(%arg11 : memref<!tpu.dma_semaphore, #tpu.memory_space<semaphore_mem>>) src(%arg9 : memref<32x128xf32, #tpu.memory_space<vmem>>) dst(%dma_wait3A_152 : memref<32x128xf32, #tpu.memory_space<vmem_shared>>)
    %dma_wait3A_153 = arith.constant 0 : i32
    %dma_wait3A_154 = tpu.memref_slice %arg5[%mul3A_8, %dma_wait3A_153] : memref<10240x128xf32, #tpu.memory_space<vmem_shared>> -> memref<32x128xf32, #tpu.memory_space<vmem_shared>>
    %dma_wait3A_155 = arith.constant 0 : i32
    %dma_wait3A_156 = tpu.memref_slice %arg5[%mul3A_8, %dma_wait3A_155] : memref<10240x128xf32, #tpu.memory_space<vmem_shared>> -> memref<32x128xf32, #tpu.memory_space<vmem_shared>>
    tpu.wait_dma2 semaphore(%arg11 : memref<!tpu.dma_semaphore, #tpu.memory_space<semaphore_mem>>) src(%arg9 : memref<32x128xf32, #tpu.memory_space<vmem>>) dst(%dma_wait3A_156 : memref<32x128xf32, #tpu.memory_space<vmem_shared>>)
    %dma_wait3A_157 = arith.constant 0 : i32
    %dma_wait3A_158 = tpu.memref_slice %arg5[%mul3A_8, %dma_wait3A_157] : memref<10240x128xf32, #tpu.memory_space<vmem_shared>> -> memref<32x128xf32, #tpu.memory_space<vmem_shared>>
    %dma_wait3A_159 = arith.constant 0 : i32
    %dma_wait3A_160 = tpu.memref_slice %arg5[%mul3A_8, %dma_wait3A_159] : memref<10240x128xf32, #tpu.memory_space<vmem_shared>> -> memref<32x128xf32, #tpu.memory_space<vmem_shared>>
    tpu.wait_dma2 semaphore(%arg11 : memref<!tpu.dma_semaphore, #tpu.memory_space<semaphore_mem>>) src(%arg9 : memref<32x128xf32, #tpu.memory_space<vmem>>) dst(%dma_wait3A_160 : memref<32x128xf32, #tpu.memory_space<vmem_shared>>)
    %dma_wait3A_161 = arith.constant 0 : i32
    %dma_wait3A_162 = tpu.memref_slice %arg5[%mul3A_8, %dma_wait3A_161] : memref<10240x128xf32, #tpu.memory_space<vmem_shared>> -> memref<32x128xf32, #tpu.memory_space<vmem_shared>>
    %dma_wait3A_163 = arith.constant 0 : i32
    %dma_wait3A_164 = tpu.memref_slice %arg5[%mul3A_8, %dma_wait3A_163] : memref<10240x128xf32, #tpu.memory_space<vmem_shared>> -> memref<32x128xf32, #tpu.memory_space<vmem_shared>>
    tpu.wait_dma2 semaphore(%arg11 : memref<!tpu.dma_semaphore, #tpu.memory_space<semaphore_mem>>) src(%arg9 : memref<32x128xf32, #tpu.memory_space<vmem>>) dst(%dma_wait3A_164 : memref<32x128xf32, #tpu.memory_space<vmem_shared>>)
    %dma_wait3A_165 = arith.constant 0 : i32
    %dma_wait3A_166 = tpu.memref_slice %arg5[%mul3A_8, %dma_wait3A_165] : memref<10240x128xf32, #tpu.memory_space<vmem_shared>> -> memref<32x128xf32, #tpu.memory_space<vmem_shared>>
    %dma_wait3A_167 = arith.constant 0 : i32
    %dma_wait3A_168 = tpu.memref_slice %arg5[%mul3A_8, %dma_wait3A_167] : memref<10240x128xf32, #tpu.memory_space<vmem_shared>> -> memref<32x128xf32, #tpu.memory_space<vmem_shared>>
    tpu.wait_dma2 semaphore(%arg11 : memref<!tpu.dma_semaphore, #tpu.memory_space<semaphore_mem>>) src(%arg9 : memref<32x128xf32, #tpu.memory_space<vmem>>) dst(%dma_wait3A_168 : memref<32x128xf32, #tpu.memory_space<vmem_shared>>)
    %dma_wait3A_169 = arith.constant 0 : i32
    %dma_wait3A_170 = tpu.memref_slice %arg5[%mul3A_8, %dma_wait3A_169] : memref<10240x128xf32, #tpu.memory_space<vmem_shared>> -> memref<32x128xf32, #tpu.memory_space<vmem_shared>>
    %dma_wait3A_171 = arith.constant 0 : i32
    %dma_wait3A_172 = tpu.memref_slice %arg5[%mul3A_8, %dma_wait3A_171] : memref<10240x128xf32, #tpu.memory_space<vmem_shared>> -> memref<32x128xf32, #tpu.memory_space<vmem_shared>>
    tpu.wait_dma2 semaphore(%arg11 : memref<!tpu.dma_semaphore, #tpu.memory_space<semaphore_mem>>) src(%arg9 : memref<32x128xf32, #tpu.memory_space<vmem>>) dst(%dma_wait3A_172 : memref<32x128xf32, #tpu.memory_space<vmem_shared>>)
    %dma_wait3A_173 = arith.constant 0 : i32
    %dma_wait3A_174 = tpu.memref_slice %arg5[%mul3A_8, %dma_wait3A_173] : memref<10240x128xf32, #tpu.memory_space<vmem_shared>> -> memref<32x128xf32, #tpu.memory_space<vmem_shared>>
    %dma_wait3A_175 = arith.constant 0 : i32
    %dma_wait3A_176 = tpu.memref_slice %arg5[%mul3A_8, %dma_wait3A_175] : memref<10240x128xf32, #tpu.memory_space<vmem_shared>> -> memref<32x128xf32, #tpu.memory_space<vmem_shared>>
    tpu.wait_dma2 semaphore(%arg11 : memref<!tpu.dma_semaphore, #tpu.memory_space<semaphore_mem>>) src(%arg9 : memref<32x128xf32, #tpu.memory_space<vmem>>) dst(%dma_wait3A_176 : memref<32x128xf32, #tpu.memory_space<vmem_shared>>)
    %dma_wait3A_177 = arith.constant 0 : i32
    %dma_wait3A_178 = tpu.memref_slice %arg5[%mul3A_8, %dma_wait3A_177] : memref<10240x128xf32, #tpu.memory_space<vmem_shared>> -> memref<32x128xf32, #tpu.memory_space<vmem_shared>>
    %dma_wait3A_179 = arith.constant 0 : i32
    %dma_wait3A_180 = tpu.memref_slice %arg5[%mul3A_8, %dma_wait3A_179] : memref<10240x128xf32, #tpu.memory_space<vmem_shared>> -> memref<32x128xf32, #tpu.memory_space<vmem_shared>>
    tpu.wait_dma2 semaphore(%arg11 : memref<!tpu.dma_semaphore, #tpu.memory_space<semaphore_mem>>) src(%arg9 : memref<32x128xf32, #tpu.memory_space<vmem>>) dst(%dma_wait3A_180 : memref<32x128xf32, #tpu.memory_space<vmem_shared>>)
    %dma_wait3A_181 = arith.constant 0 : i32
    %dma_wait3A_182 = tpu.memref_slice %arg5[%mul3A_8, %dma_wait3A_181] : memref<10240x128xf32, #tpu.memory_space<vmem_shared>> -> memref<32x128xf32, #tpu.memory_space<vmem_shared>>
    %dma_wait3A_183 = arith.constant 0 : i32
    %dma_wait3A_184 = tpu.memref_slice %arg5[%mul3A_8, %dma_wait3A_183] : memref<10240x128xf32, #tpu.memory_space<vmem_shared>> -> memref<32x128xf32, #tpu.memory_space<vmem_shared>>
    tpu.wait_dma2 semaphore(%arg11 : memref<!tpu.dma_semaphore, #tpu.memory_space<semaphore_mem>>) src(%arg9 : memref<32x128xf32, #tpu.memory_space<vmem>>) dst(%dma_wait3A_184 : memref<32x128xf32, #tpu.memory_space<vmem_shared>>)
    %dma_wait3A_185 = arith.constant 0 : i32
    %dma_wait3A_186 = tpu.memref_slice %arg5[%mul3A_8, %dma_wait3A_185] : memref<10240x128xf32, #tpu.memory_space<vmem_shared>> -> memref<32x128xf32, #tpu.memory_space<vmem_shared>>
    %dma_wait3A_187 = arith.constant 0 : i32
    %dma_wait3A_188 = tpu.memref_slice %arg5[%mul3A_8, %dma_wait3A_187] : memref<10240x128xf32, #tpu.memory_space<vmem_shared>> -> memref<32x128xf32, #tpu.memory_space<vmem_shared>>
    tpu.wait_dma2 semaphore(%arg11 : memref<!tpu.dma_semaphore, #tpu.memory_space<semaphore_mem>>) src(%arg9 : memref<32x128xf32, #tpu.memory_space<vmem>>) dst(%dma_wait3A_188 : memref<32x128xf32, #tpu.memory_space<vmem_shared>>)
    %dma_wait3A_189 = arith.constant 0 : i32
    %dma_wait3A_190 = tpu.memref_slice %arg5[%mul3A_8, %dma_wait3A_189] : memref<10240x128xf32, #tpu.memory_space<vmem_shared>> -> memref<32x128xf32, #tpu.memory_space<vmem_shared>>
    %dma_wait3A_191 = arith.constant 0 : i32
    %dma_wait3A_192 = tpu.memref_slice %arg5[%mul3A_8, %dma_wait3A_191] : memref<10240x128xf32, #tpu.memory_space<vmem_shared>> -> memref<32x128xf32, #tpu.memory_space<vmem_shared>>
    tpu.wait_dma2 semaphore(%arg11 : memref<!tpu.dma_semaphore, #tpu.memory_space<semaphore_mem>>) src(%arg9 : memref<32x128xf32, #tpu.memory_space<vmem>>) dst(%dma_wait3A_192 : memref<32x128xf32, #tpu.memory_space<vmem_shared>>)
    %dma_wait3A_193 = arith.constant 0 : i32
    %dma_wait3A_194 = tpu.memref_slice %arg5[%mul3A_8, %dma_wait3A_193] : memref<10240x128xf32, #tpu.memory_space<vmem_shared>> -> memref<32x128xf32, #tpu.memory_space<vmem_shared>>
    %dma_wait3A_195 = arith.constant 0 : i32
    %dma_wait3A_196 = tpu.memref_slice %arg5[%mul3A_8, %dma_wait3A_195] : memref<10240x128xf32, #tpu.memory_space<vmem_shared>> -> memref<32x128xf32, #tpu.memory_space<vmem_shared>>
    tpu.wait_dma2 semaphore(%arg11 : memref<!tpu.dma_semaphore, #tpu.memory_space<semaphore_mem>>) src(%arg9 : memref<32x128xf32, #tpu.memory_space<vmem>>) dst(%dma_wait3A_196 : memref<32x128xf32, #tpu.memory_space<vmem_shared>>)
    %dma_wait3A_197 = arith.constant 0 : i32
    %dma_wait3A_198 = tpu.memref_slice %arg5[%mul3A_8, %dma_wait3A_197] : memref<10240x128xf32, #tpu.memory_space<vmem_shared>> -> memref<32x128xf32, #tpu.memory_space<vmem_shared>>
    %dma_wait3A_199 = arith.constant 0 : i32
    %dma_wait3A_200 = tpu.memref_slice %arg5[%mul3A_8, %dma_wait3A_199] : memref<10240x128xf32, #tpu.memory_space<vmem_shared>> -> memref<32x128xf32, #tpu.memory_space<vmem_shared>>
    tpu.wait_dma2 semaphore(%arg11 : memref<!tpu.dma_semaphore, #tpu.memory_space<semaphore_mem>>) src(%arg9 : memref<32x128xf32, #tpu.memory_space<vmem>>) dst(%dma_wait3A_200 : memref<32x128xf32, #tpu.memory_space<vmem_shared>>)
    %dma_wait3A_201 = arith.constant 0 : i32
    %dma_wait3A_202 = tpu.memref_slice %arg5[%mul3A_8, %dma_wait3A_201] : memref<10240x128xf32, #tpu.memory_space<vmem_shared>> -> memref<32x128xf32, #tpu.memory_space<vmem_shared>>
    %dma_wait3A_203 = arith.constant 0 : i32
    %dma_wait3A_204 = tpu.memref_slice %arg5[%mul3A_8, %dma_wait3A_203] : memref<10240x128xf32, #tpu.memory_space<vmem_shared>> -> memref<32x128xf32, #tpu.memory_space<vmem_shared>>
    tpu.wait_dma2 semaphore(%arg11 : memref<!tpu.dma_semaphore, #tpu.memory_space<semaphore_mem>>) src(%arg9 : memref<32x128xf32, #tpu.memory_space<vmem>>) dst(%dma_wait3A_204 : memref<32x128xf32, #tpu.memory_space<vmem_shared>>)
    %dma_wait3A_205 = arith.constant 0 : i32
    %dma_wait3A_206 = tpu.memref_slice %arg5[%mul3A_8, %dma_wait3A_205] : memref<10240x128xf32, #tpu.memory_space<vmem_shared>> -> memref<32x128xf32, #tpu.memory_space<vmem_shared>>
    %dma_wait3A_207 = arith.constant 0 : i32
    %dma_wait3A_208 = tpu.memref_slice %arg5[%mul3A_8, %dma_wait3A_207] : memref<10240x128xf32, #tpu.memory_space<vmem_shared>> -> memref<32x128xf32, #tpu.memory_space<vmem_shared>>
    tpu.wait_dma2 semaphore(%arg11 : memref<!tpu.dma_semaphore, #tpu.memory_space<semaphore_mem>>) src(%arg9 : memref<32x128xf32, #tpu.memory_space<vmem>>) dst(%dma_wait3A_208 : memref<32x128xf32, #tpu.memory_space<vmem_shared>>)
    %dma_wait3A_209 = arith.constant 0 : i32
    %dma_wait3A_210 = tpu.memref_slice %arg5[%mul3A_8, %dma_wait3A_209] : memref<10240x128xf32, #tpu.memory_space<vmem_shared>> -> memref<32x128xf32, #tpu.memory_space<vmem_shared>>
    %dma_wait3A_211 = arith.constant 0 : i32
    %dma_wait3A_212 = tpu.memref_slice %arg5[%mul3A_8, %dma_wait3A_211] : memref<10240x128xf32, #tpu.memory_space<vmem_shared>> -> memref<32x128xf32, #tpu.memory_space<vmem_shared>>
    tpu.wait_dma2 semaphore(%arg11 : memref<!tpu.dma_semaphore, #tpu.memory_space<semaphore_mem>>) src(%arg9 : memref<32x128xf32, #tpu.memory_space<vmem>>) dst(%dma_wait3A_212 : memref<32x128xf32, #tpu.memory_space<vmem_shared>>)
    %dma_wait3A_213 = arith.constant 0 : i32
    %dma_wait3A_214 = tpu.memref_slice %arg5[%mul3A_8, %dma_wait3A_213] : memref<10240x128xf32, #tpu.memory_space<vmem_shared>> -> memref<32x128xf32, #tpu.memory_space<vmem_shared>>
    %dma_wait3A_215 = arith.constant 0 : i32
    %dma_wait3A_216 = tpu.memref_slice %arg5[%mul3A_8, %dma_wait3A_215] : memref<10240x128xf32, #tpu.memory_space<vmem_shared>> -> memref<32x128xf32, #tpu.memory_space<vmem_shared>>
    tpu.wait_dma2 semaphore(%arg11 : memref<!tpu.dma_semaphore, #tpu.memory_space<semaphore_mem>>) src(%arg9 : memref<32x128xf32, #tpu.memory_space<vmem>>) dst(%dma_wait3A_216 : memref<32x128xf32, #tpu.memory_space<vmem_shared>>)
    %dma_wait3A_217 = arith.constant 0 : i32
    %dma_wait3A_218 = tpu.memref_slice %arg5[%mul3A_8, %dma_wait3A_217] : memref<10240x128xf32, #tpu.memory_space<vmem_shared>> -> memref<32x128xf32, #tpu.memory_space<vmem_shared>>
    %dma_wait3A_219 = arith.constant 0 : i32
    %dma_wait3A_220 = tpu.memref_slice %arg5[%mul3A_8, %dma_wait3A_219] : memref<10240x128xf32, #tpu.memory_space<vmem_shared>> -> memref<32x128xf32, #tpu.memory_space<vmem_shared>>
    tpu.wait_dma2 semaphore(%arg11 : memref<!tpu.dma_semaphore, #tpu.memory_space<semaphore_mem>>) src(%arg9 : memref<32x128xf32, #tpu.memory_space<vmem>>) dst(%dma_wait3A_220 : memref<32x128xf32, #tpu.memory_space<vmem_shared>>)
    %barrier3A = arith.constant 0 : index
    tpu.barrier barrier_id(%barrier3A)
    %mul3A_221 = arith.constant 10000 : i32
    %mul3A_222 = arith.muli %add3A, %mul3A_221 : i32
    %add3A_223 = arith.constant 0 : i32
    %add3A_224 = arith.addi %mul3A_222, %add3A_223 : i32
    %scan3A_225 = arith.constant 0 : i32
    %scan3A_226 = arith.constant 0 : i32
    %scan3A_227 = arith.constant 64 : i32
    %scan3A_228 = arith.addi %scan3A_226, %scan3A_227 : i32
    %scan3A_229 = arith.constant 1 : i32
    %scan3A_230 = scf.for %scan3A_349 = %scan3A_226 to %scan3A_228 step %scan3A_229 iter_args(%scan3A_350 = %scan3A_225) -> (i32)  : i32 {
      %rem3A_351 = arith.constant 2 : i32
      %rem3A_352 = arith.remsi %scan3A_349, %rem3A_351 : i32
      %gt3A = arith.constant 0 : i32
      %gt3A_353 = arith.cmpi sgt, %scan3A_349, %gt3A : i32
      %convert_element_type3A = arith.extui %gt3A_353 : i1 to i32
      %cond3A = arith.constant 0 : i32
      %cond3A_354 = arith.cmpi ne, %convert_element_type3A, %cond3A : i32
      scf.if %cond3A_354 {
        %sub3A = arith.constant 1 : i32
        %sub3A_384 = arith.subi %sub3A, %rem3A_352 : i32
        %dma_wait3A_385 = arith.constant 0 : i32
        %dma_wait3A_386 = arith.constant 0 : i32
        %dma_wait3A_387 = tpu.memref_slice %arg8[%sub3A_384, %dma_wait3A_385, %dma_wait3A_386] : memref<2x80x128xf32, #tpu.memory_space<vmem>> -> memref<1x80x128xf32, #tpu.memory_space<vmem>>
        %dma_wait3A_388 = tpu.memref_squeeze %dma_wait3A_387 : memref<1x80x128xf32, #tpu.memory_space<vmem>> -> memref<80x128xf32, #tpu.memory_space<vmem>>
        %dma_wait3A_389 = arith.constant 0 : i32
        %dma_wait3A_390 = arith.constant 0 : i32
        %dma_wait3A_391 = tpu.memref_slice %arg5[%dma_wait3A_389, %dma_wait3A_390] : memref<10240x128xf32, #tpu.memory_space<vmem_shared>> -> memref<80x128xf32, #tpu.memory_space<vmem_shared>>
        %dma_wait3A_392 = arith.constant 0 : i32
        %dma_wait3A_393 = arith.constant 0 : i32
        %dma_wait3A_394 = tpu.memref_slice %arg5[%dma_wait3A_392, %dma_wait3A_393] : memref<10240x128xf32, #tpu.memory_space<vmem_shared>> -> memref<80x128xf32, #tpu.memory_space<vmem_shared>>
        %dma_wait3A_395 = arith.constant 0 : i32
        %dma_wait3A_396 = arith.constant 0 : i32
        %dma_wait3A_397 = tpu.memref_slice %arg8[%sub3A_384, %dma_wait3A_395, %dma_wait3A_396] : memref<2x80x128xf32, #tpu.memory_space<vmem>> -> memref<1x80x128xf32, #tpu.memory_space<vmem>>
        %dma_wait3A_398 = tpu.memref_squeeze %dma_wait3A_397 : memref<1x80x128xf32, #tpu.memory_space<vmem>> -> memref<80x128xf32, #tpu.memory_space<vmem>>
        tpu.wait_dma2 semaphore(%arg11 : memref<!tpu.dma_semaphore, #tpu.memory_space<semaphore_mem>>) src(%dma_wait3A_398 : memref<80x128xf32, #tpu.memory_space<vmem>>) dst(%dma_wait3A_394 : memref<80x128xf32, #tpu.memory_space<vmem_shared>>)
      } else {
      }
      %lt3A = arith.constant 63 : i32
      %lt3A_355 = arith.cmpi slt, %scan3A_349, %lt3A : i32
      %convert_element_type3A_356 = arith.extui %lt3A_355 : i1 to i32
      %cond3A_357 = arith.constant 0 : i32
      %cond3A_358 = arith.cmpi ne, %convert_element_type3A_356, %cond3A_357 : i32
      scf.if %cond3A_358 {
        %add3A_384 = arith.constant 1 : i32
        %add3A_385 = arith.addi %scan3A_349, %add3A_384 : i32
        %mul3A_386 = arith.constant 80 : i32
        %mul3A_387 = arith.muli %add3A_385, %mul3A_386 : i32
        %sub3A = arith.constant 1 : i32
        %sub3A_388 = arith.subi %sub3A, %rem3A_352 : i32
        %dma_start3A_389 = arith.constant 0 : i32
        %dma_start3A_390 = arith.constant 0 : i32
        %dma_start3A_391 = tpu.memref_slice %arg8[%sub3A_388, %dma_start3A_389, %dma_start3A_390] : memref<2x80x128xf32, #tpu.memory_space<vmem>> -> memref<1x80x128xf32, #tpu.memory_space<vmem>>
        %dma_start3A_392 = tpu.memref_squeeze %dma_start3A_391 : memref<1x80x128xf32, #tpu.memory_space<vmem>> -> memref<80x128xf32, #tpu.memory_space<vmem>>
        %dma_start3A_393 = tpu.memref_slice %arg6[%mul3A_387] : memref<5120xi32, #tpu.memory_space<vmem>> -> memref<80xi32, #tpu.memory_space<vmem>>
        %dma_start3A_394 = arith.constant 0 : i32
        %dma_start3A_395 = arith.constant 0 : i32
        %dma_start3A_396 = tpu.memref_slice %arg2[%dma_start3A_394, %dma_start3A_395] : memref<10000x128xf32, #tpu.memory_space<hbm>> -> memref<10000x128xf32, #tpu.memory_space<hbm>>
        tpu.enqueue_indirect_dma source(%dma_start3A_396 : memref<10000x128xf32, #tpu.memory_space<hbm>>) target(%dma_start3A_392 : memref<80x128xf32, #tpu.memory_space<vmem>>) offsets(%dma_start3A_393 : memref<80xi32, #tpu.memory_space<vmem>>) semaphore(%arg10 : memref<!tpu.dma_semaphore, #tpu.memory_space<semaphore_mem>>)
      } else {
      }
      %dma_wait3A_359 = arith.constant 0 : i32
      %dma_wait3A_360 = arith.constant 0 : i32
      %dma_wait3A_361 = tpu.memref_slice %arg8[%rem3A_352, %dma_wait3A_359, %dma_wait3A_360] : memref<2x80x128xf32, #tpu.memory_space<vmem>> -> memref<1x80x128xf32, #tpu.memory_space<vmem>>
      %dma_wait3A_362 = tpu.memref_squeeze %dma_wait3A_361 : memref<1x80x128xf32, #tpu.memory_space<vmem>> -> memref<80x128xf32, #tpu.memory_space<vmem>>
      %dma_wait3A_363 = arith.constant 0 : i32
      %dma_wait3A_364 = arith.constant 0 : i32
      %dma_wait3A_365 = tpu.memref_slice %arg2[%dma_wait3A_363, %dma_wait3A_364] : memref<10000x128xf32, #tpu.memory_space<hbm>> -> memref<80x128xf32, #tpu.memory_space<hbm>>
      %dma_wait3A_366 = arith.constant 0 : i32
      %dma_wait3A_367 = arith.constant 0 : i32
      %dma_wait3A_368 = tpu.memref_slice %arg8[%rem3A_352, %dma_wait3A_366, %dma_wait3A_367] : memref<2x80x128xf32, #tpu.memory_space<vmem>> -> memref<1x80x128xf32, #tpu.memory_space<vmem>>
      %dma_wait3A_369 = tpu.memref_squeeze %dma_wait3A_368 : memref<1x80x128xf32, #tpu.memory_space<vmem>> -> memref<80x128xf32, #tpu.memory_space<vmem>>
      %dma_wait3A_370 = arith.constant 0 : i32
      %dma_wait3A_371 = arith.constant 0 : i32
      %dma_wait3A_372 = tpu.memref_slice %arg2[%dma_wait3A_370, %dma_wait3A_371] : memref<10000x128xf32, #tpu.memory_space<hbm>> -> memref<80x128xf32, #tpu.memory_space<hbm>>
      tpu.wait_dma2 semaphore(%arg10 : memref<!tpu.dma_semaphore, #tpu.memory_space<semaphore_mem>>) src(%dma_wait3A_372 : memref<80x128xf32, #tpu.memory_space<hbm>>) dst(%dma_wait3A_369 : memref<80x128xf32, #tpu.memory_space<vmem>>)
      %mul3A_373 = arith.constant 80 : i32
      %mul3A_374 = arith.muli %scan3A_349, %mul3A_373 : i32
      %dma_start3A_375 = arith.constant 0 : i32
      %dma_start3A_376 = arith.constant 0 : i32
      %dma_start3A_377 = tpu.memref_slice %arg8[%rem3A_352, %dma_start3A_375, %dma_start3A_376] : memref<2x80x128xf32, #tpu.memory_space<vmem>> -> memref<1x80x128xf32, #tpu.memory_space<vmem>>
      %dma_start3A_378 = tpu.memref_squeeze %dma_start3A_377 : memref<1x80x128xf32, #tpu.memory_space<vmem>> -> memref<80x128xf32, #tpu.memory_space<vmem>>
      %dma_start3A_379 = tpu.memref_slice %arg7[%mul3A_374] : memref<5120xi32, #tpu.memory_space<vmem>> -> memref<80xi32, #tpu.memory_space<vmem>>
      %dma_start3A_380 = arith.constant 0 : i32
      %dma_start3A_381 = arith.constant 0 : i32
      %dma_start3A_382 = tpu.memref_slice %arg5[%dma_start3A_380, %dma_start3A_381] : memref<10240x128xf32, #tpu.memory_space<vmem_shared>> -> memref<10240x128xf32, #tpu.memory_space<vmem_shared>>
      tpu.enqueue_indirect_dma source(%dma_start3A_378 : memref<80x128xf32, #tpu.memory_space<vmem>>) target(%dma_start3A_382 : memref<10240x128xf32, #tpu.memory_space<vmem_shared>>) offsets(%dma_start3A_379 : memref<80xi32, #tpu.memory_space<vmem>>) semaphore(%arg11 : memref<!tpu.dma_semaphore, #tpu.memory_space<semaphore_mem>>) {add = true}
      %scan3A_383 = arith.constant 0 : i32
      scf.yield %scan3A_383 : i32
    }
    %scan3A_231 = arith.constant 64 : i32
    %rem3A = arith.constant 63 : i32
    %rem3A_232 = arith.constant 2 : i32
    %rem3A_233 = arith.remsi %rem3A, %rem3A_232 : i32
    %dma_wait3A_234 = arith.constant 0 : i32
    %dma_wait3A_235 = arith.constant 0 : i32
    %dma_wait3A_236 = tpu.memref_slice %arg8[%rem3A_233, %dma_wait3A_234, %dma_wait3A_235] : memref<2x80x128xf32, #tpu.memory_space<vmem>> -> memref<1x80x128xf32, #tpu.memory_space<vmem>>
    %dma_wait3A_237 = tpu.memref_squeeze %dma_wait3A_236 : memref<1x80x128xf32, #tpu.memory_space<vmem>> -> memref<80x128xf32, #tpu.memory_space<vmem>>
    %dma_wait3A_238 = arith.constant 0 : i32
    %dma_wait3A_239 = arith.constant 0 : i32
    %dma_wait3A_240 = tpu.memref_slice %arg5[%dma_wait3A_238, %dma_wait3A_239] : memref<10240x128xf32, #tpu.memory_space<vmem_shared>> -> memref<80x128xf32, #tpu.memory_space<vmem_shared>>
    %dma_wait3A_241 = arith.constant 0 : i32
    %dma_wait3A_242 = arith.constant 0 : i32
    %dma_wait3A_243 = tpu.memref_slice %arg5[%dma_wait3A_241, %dma_wait3A_242] : memref<10240x128xf32, #tpu.memory_space<vmem_shared>> -> memref<80x128xf32, #tpu.memory_space<vmem_shared>>
    %dma_wait3A_244 = arith.constant 0 : i32
    %dma_wait3A_245 = arith.constant 0 : i32
    %dma_wait3A_246 = tpu.memref_slice %arg8[%rem3A_233, %dma_wait3A_244, %dma_wait3A_245] : memref<2x80x128xf32, #tpu.memory_space<vmem>> -> memref<1x80x128xf32, #tpu.memory_space<vmem>>
    %dma_wait3A_247 = tpu.memref_squeeze %dma_wait3A_246 : memref<1x80x128xf32, #tpu.memory_space<vmem>> -> memref<80x128xf32, #tpu.memory_space<vmem>>
    tpu.wait_dma2 semaphore(%arg11 : memref<!tpu.dma_semaphore, #tpu.memory_space<semaphore_mem>>) src(%dma_wait3A_247 : memref<80x128xf32, #tpu.memory_space<vmem>>) dst(%dma_wait3A_243 : memref<80x128xf32, #tpu.memory_space<vmem_shared>>)
    %mul3A_248 = arith.constant 10000 : i32
    %mul3A_249 = arith.muli %add3A, %mul3A_248 : i32
    %add3A_250 = arith.constant 5120 : i32
    %add3A_251 = arith.addi %mul3A_249, %add3A_250 : i32
    "tpu.region"() ({
      %run_scoped3A = tpu.sem_alloc : memref<!tpu.dma_semaphore, #tpu.memory_space<semaphore_mem>>
      %dma_start3A_349 = arith.constant 0 : i32
      %dma_start3A_350 = tpu.memref_slice %arg6[%dma_start3A_349] : memref<5120xi32, #tpu.memory_space<vmem>> -> memref<4880xi32, #tpu.memory_space<vmem>>
      %dma_start3A_351 = tpu.memref_slice %arg3[%add3A_251] : memref<640000xi32, #tpu.memory_space<hbm>> -> memref<4880xi32, #tpu.memory_space<hbm>>
      %dma_start3A_352 = arith.constant 0 : i32
      %dma_start3A_353 = tpu.memref_slice %arg6[%dma_start3A_352] : memref<5120xi32, #tpu.memory_space<vmem>> -> memref<4880xi32, #tpu.memory_space<vmem>>
      %dma_start3A_354 = tpu.memref_slice %arg3[%add3A_251] : memref<640000xi32, #tpu.memory_space<hbm>> -> memref<4880xi32, #tpu.memory_space<hbm>>
      tpu.enqueue_dma source(%dma_start3A_354 : memref<4880xi32, #tpu.memory_space<hbm>>) target(%dma_start3A_353 : memref<4880xi32, #tpu.memory_space<vmem>>) target_semaphore(%run_scoped3A : memref<!tpu.dma_semaphore, #tpu.memory_space<semaphore_mem>>)
      %dma_wait3A_355 = arith.constant 0 : i32
      %dma_wait3A_356 = tpu.memref_slice %arg6[%dma_wait3A_355] : memref<5120xi32, #tpu.memory_space<vmem>> -> memref<4880xi32, #tpu.memory_space<vmem>>
      %dma_wait3A_357 = tpu.memref_slice %arg3[%add3A_251] : memref<640000xi32, #tpu.memory_space<hbm>> -> memref<4880xi32, #tpu.memory_space<hbm>>
      %dma_wait3A_358 = arith.constant 0 : i32
      %dma_wait3A_359 = tpu.memref_slice %arg6[%dma_wait3A_358] : memref<5120xi32, #tpu.memory_space<vmem>> -> memref<4880xi32, #tpu.memory_space<vmem>>
      %dma_wait3A_360 = tpu.memref_slice %arg3[%add3A_251] : memref<640000xi32, #tpu.memory_space<hbm>> -> memref<4880xi32, #tpu.memory_space<hbm>>
      tpu.wait_dma2 semaphore(%run_scoped3A : memref<!tpu.dma_semaphore, #tpu.memory_space<semaphore_mem>>) src(%dma_wait3A_360 : memref<4880xi32, #tpu.memory_space<hbm>>) dst(%dma_wait3A_359 : memref<4880xi32, #tpu.memory_space<vmem>>)
      tpu.yield
    }) : () -> ()
    %add3A_252 = arith.constant 320000 : i32
    %add3A_253 = arith.addi %add3A_252, %add3A_251 : i32
    "tpu.region"() ({
      %run_scoped3A = tpu.sem_alloc : memref<!tpu.dma_semaphore, #tpu.memory_space<semaphore_mem>>
      %dma_start3A_349 = arith.constant 0 : i32
      %dma_start3A_350 = tpu.memref_slice %arg7[%dma_start3A_349] : memref<5120xi32, #tpu.memory_space<vmem>> -> memref<4880xi32, #tpu.memory_space<vmem>>
      %dma_start3A_351 = tpu.memref_slice %arg3[%add3A_253] : memref<640000xi32, #tpu.memory_space<hbm>> -> memref<4880xi32, #tpu.memory_space<hbm>>
      %dma_start3A_352 = arith.constant 0 : i32
      %dma_start3A_353 = tpu.memref_slice %arg7[%dma_start3A_352] : memref<5120xi32, #tpu.memory_space<vmem>> -> memref<4880xi32, #tpu.memory_space<vmem>>
      %dma_start3A_354 = tpu.memref_slice %arg3[%add3A_253] : memref<640000xi32, #tpu.memory_space<hbm>> -> memref<4880xi32, #tpu.memory_space<hbm>>
      tpu.enqueue_dma source(%dma_start3A_354 : memref<4880xi32, #tpu.memory_space<hbm>>) target(%dma_start3A_353 : memref<4880xi32, #tpu.memory_space<vmem>>) target_semaphore(%run_scoped3A : memref<!tpu.dma_semaphore, #tpu.memory_space<semaphore_mem>>)
      %dma_wait3A_355 = arith.constant 0 : i32
      %dma_wait3A_356 = tpu.memref_slice %arg7[%dma_wait3A_355] : memref<5120xi32, #tpu.memory_space<vmem>> -> memref<4880xi32, #tpu.memory_space<vmem>>
      %dma_wait3A_357 = tpu.memref_slice %arg3[%add3A_253] : memref<640000xi32, #tpu.memory_space<hbm>> -> memref<4880xi32, #tpu.memory_space<hbm>>
      %dma_wait3A_358 = arith.constant 0 : i32
      %dma_wait3A_359 = tpu.memref_slice %arg7[%dma_wait3A_358] : memref<5120xi32, #tpu.memory_space<vmem>> -> memref<4880xi32, #tpu.memory_space<vmem>>
      %dma_wait3A_360 = tpu.memref_slice %arg3[%add3A_253] : memref<640000xi32, #tpu.memory_space<hbm>> -> memref<4880xi32, #tpu.memory_space<hbm>>
      tpu.wait_dma2 semaphore(%run_scoped3A : memref<!tpu.dma_semaphore, #tpu.memory_space<semaphore_mem>>) src(%dma_wait3A_360 : memref<4880xi32, #tpu.memory_space<hbm>>) dst(%dma_wait3A_359 : memref<4880xi32, #tpu.memory_space<vmem>>)
      tpu.yield
    }) : () -> ()
    %dma_start3A_254 = arith.constant 0 : i32
    %dma_start3A_255 = arith.constant 0 : i32
    %dma_start3A_256 = arith.constant 0 : i32
    %dma_start3A_257 = tpu.memref_slice %arg8[%dma_start3A_254, %dma_start3A_255, %dma_start3A_256] : memref<2x80x128xf32, #tpu.memory_space<vmem>> -> memref<1x80x128xf32, #tpu.memory_space<vmem>>
    %dma_start3A_258 = tpu.memref_squeeze %dma_start3A_257 : memref<1x80x128xf32, #tpu.memory_space<vmem>> -> memref<80x128xf32, #tpu.memory_space<vmem>>
    %dma_start3A_259 = arith.constant 0 : i32
    %dma_start3A_260 = tpu.memref_slice %arg6[%dma_start3A_259] : memref<5120xi32, #tpu.memory_space<vmem>> -> memref<80xi32, #tpu.memory_space<vmem>>
    %dma_start3A_261 = arith.constant 0 : i32
    %dma_start3A_262 = arith.constant 0 : i32
    %dma_start3A_263 = tpu.memref_slice %arg2[%dma_start3A_261, %dma_start3A_262] : memref<10000x128xf32, #tpu.memory_space<hbm>> -> memref<10000x128xf32, #tpu.memory_space<hbm>>
    tpu.enqueue_indirect_dma source(%dma_start3A_263 : memref<10000x128xf32, #tpu.memory_space<hbm>>) target(%dma_start3A_258 : memref<80x128xf32, #tpu.memory_space<vmem>>) offsets(%dma_start3A_260 : memref<80xi32, #tpu.memory_space<vmem>>) semaphore(%arg10 : memref<!tpu.dma_semaphore, #tpu.memory_space<semaphore_mem>>)
    %scan3A_264 = arith.constant 0 : i32
    %scan3A_265 = arith.constant 0 : i32
    %scan3A_266 = arith.constant 61 : i32
    %scan3A_267 = arith.addi %scan3A_265, %scan3A_266 : i32
    %scan3A_268 = arith.constant 1 : i32
    %scan3A_269 = scf.for %scan3A_349 = %scan3A_265 to %scan3A_267 step %scan3A_268 iter_args(%scan3A_350 = %scan3A_264) -> (i32)  : i32 {
      %rem3A_351 = arith.constant 2 : i32
      %rem3A_352 = arith.remsi %scan3A_349, %rem3A_351 : i32
      %gt3A = arith.constant 0 : i32
      %gt3A_353 = arith.cmpi sgt, %scan3A_349, %gt3A : i32
      %convert_element_type3A = arith.extui %gt3A_353 : i1 to i32
      %cond3A = arith.constant 0 : i32
      %cond3A_354 = arith.cmpi ne, %convert_element_type3A, %cond3A : i32
      scf.if %cond3A_354 {
        %sub3A = arith.constant 1 : i32
        %sub3A_384 = arith.subi %sub3A, %rem3A_352 : i32
        %dma_wait3A_385 = arith.constant 0 : i32
        %dma_wait3A_386 = arith.constant 0 : i32
        %dma_wait3A_387 = tpu.memref_slice %arg8[%sub3A_384, %dma_wait3A_385, %dma_wait3A_386] : memref<2x80x128xf32, #tpu.memory_space<vmem>> -> memref<1x80x128xf32, #tpu.memory_space<vmem>>
        %dma_wait3A_388 = tpu.memref_squeeze %dma_wait3A_387 : memref<1x80x128xf32, #tpu.memory_space<vmem>> -> memref<80x128xf32, #tpu.memory_space<vmem>>
        %dma_wait3A_389 = arith.constant 0 : i32
        %dma_wait3A_390 = arith.constant 0 : i32
        %dma_wait3A_391 = tpu.memref_slice %arg5[%dma_wait3A_389, %dma_wait3A_390] : memref<10240x128xf32, #tpu.memory_space<vmem_shared>> -> memref<80x128xf32, #tpu.memory_space<vmem_shared>>
        %dma_wait3A_392 = arith.constant 0 : i32
        %dma_wait3A_393 = arith.constant 0 : i32
        %dma_wait3A_394 = tpu.memref_slice %arg5[%dma_wait3A_392, %dma_wait3A_393] : memref<10240x128xf32, #tpu.memory_space<vmem_shared>> -> memref<80x128xf32, #tpu.memory_space<vmem_shared>>
        %dma_wait3A_395 = arith.constant 0 : i32
        %dma_wait3A_396 = arith.constant 0 : i32
        %dma_wait3A_397 = tpu.memref_slice %arg8[%sub3A_384, %dma_wait3A_395, %dma_wait3A_396] : memref<2x80x128xf32, #tpu.memory_space<vmem>> -> memref<1x80x128xf32, #tpu.memory_space<vmem>>
        %dma_wait3A_398 = tpu.memref_squeeze %dma_wait3A_397 : memref<1x80x128xf32, #tpu.memory_space<vmem>> -> memref<80x128xf32, #tpu.memory_space<vmem>>
        tpu.wait_dma2 semaphore(%arg11 : memref<!tpu.dma_semaphore, #tpu.memory_space<semaphore_mem>>) src(%dma_wait3A_398 : memref<80x128xf32, #tpu.memory_space<vmem>>) dst(%dma_wait3A_394 : memref<80x128xf32, #tpu.memory_space<vmem_shared>>)
      } else {
      }
      %lt3A = arith.constant 60 : i32
      %lt3A_355 = arith.cmpi slt, %scan3A_349, %lt3A : i32
      %convert_element_type3A_356 = arith.extui %lt3A_355 : i1 to i32
      %cond3A_357 = arith.constant 0 : i32
      %cond3A_358 = arith.cmpi ne, %convert_element_type3A_356, %cond3A_357 : i32
      scf.if %cond3A_358 {
        %add3A_384 = arith.constant 1 : i32
        %add3A_385 = arith.addi %scan3A_349, %add3A_384 : i32
        %mul3A_386 = arith.constant 80 : i32
        %mul3A_387 = arith.muli %add3A_385, %mul3A_386 : i32
        %sub3A = arith.constant 1 : i32
        %sub3A_388 = arith.subi %sub3A, %rem3A_352 : i32
        %dma_start3A_389 = arith.constant 0 : i32
        %dma_start3A_390 = arith.constant 0 : i32
        %dma_start3A_391 = tpu.memref_slice %arg8[%sub3A_388, %dma_start3A_389, %dma_start3A_390] : memref<2x80x128xf32, #tpu.memory_space<vmem>> -> memref<1x80x128xf32, #tpu.memory_space<vmem>>
        %dma_start3A_392 = tpu.memref_squeeze %dma_start3A_391 : memref<1x80x128xf32, #tpu.memory_space<vmem>> -> memref<80x128xf32, #tpu.memory_space<vmem>>
        %dma_start3A_393 = tpu.memref_slice %arg6[%mul3A_387] : memref<5120xi32, #tpu.memory_space<vmem>> -> memref<80xi32, #tpu.memory_space<vmem>>
        %dma_start3A_394 = arith.constant 0 : i32
        %dma_start3A_395 = arith.constant 0 : i32
        %dma_start3A_396 = tpu.memref_slice %arg2[%dma_start3A_394, %dma_start3A_395] : memref<10000x128xf32, #tpu.memory_space<hbm>> -> memref<10000x128xf32, #tpu.memory_space<hbm>>
        tpu.enqueue_indirect_dma source(%dma_start3A_396 : memref<10000x128xf32, #tpu.memory_space<hbm>>) target(%dma_start3A_392 : memref<80x128xf32, #tpu.memory_space<vmem>>) offsets(%dma_start3A_393 : memref<80xi32, #tpu.memory_space<vmem>>) semaphore(%arg10 : memref<!tpu.dma_semaphore, #tpu.memory_space<semaphore_mem>>)
      } else {
      }
      %dma_wait3A_359 = arith.constant 0 : i32
      %dma_wait3A_360 = arith.constant 0 : i32
      %dma_wait3A_361 = tpu.memref_slice %arg8[%rem3A_352, %dma_wait3A_359, %dma_wait3A_360] : memref<2x80x128xf32, #tpu.memory_space<vmem>> -> memref<1x80x128xf32, #tpu.memory_space<vmem>>
      %dma_wait3A_362 = tpu.memref_squeeze %dma_wait3A_361 : memref<1x80x128xf32, #tpu.memory_space<vmem>> -> memref<80x128xf32, #tpu.memory_space<vmem>>
      %dma_wait3A_363 = arith.constant 0 : i32
      %dma_wait3A_364 = arith.constant 0 : i32
      %dma_wait3A_365 = tpu.memref_slice %arg2[%dma_wait3A_363, %dma_wait3A_364] : memref<10000x128xf32, #tpu.memory_space<hbm>> -> memref<80x128xf32, #tpu.memory_space<hbm>>
      %dma_wait3A_366 = arith.constant 0 : i32
      %dma_wait3A_367 = arith.constant 0 : i32
      %dma_wait3A_368 = tpu.memref_slice %arg8[%rem3A_352, %dma_wait3A_366, %dma_wait3A_367] : memref<2x80x128xf32, #tpu.memory_space<vmem>> -> memref<1x80x128xf32, #tpu.memory_space<vmem>>
      %dma_wait3A_369 = tpu.memref_squeeze %dma_wait3A_368 : memref<1x80x128xf32, #tpu.memory_space<vmem>> -> memref<80x128xf32, #tpu.memory_space<vmem>>
      %dma_wait3A_370 = arith.constant 0 : i32
      %dma_wait3A_371 = arith.constant 0 : i32
      %dma_wait3A_372 = tpu.memref_slice %arg2[%dma_wait3A_370, %dma_wait3A_371] : memref<10000x128xf32, #tpu.memory_space<hbm>> -> memref<80x128xf32, #tpu.memory_space<hbm>>
      tpu.wait_dma2 semaphore(%arg10 : memref<!tpu.dma_semaphore, #tpu.memory_space<semaphore_mem>>) src(%dma_wait3A_372 : memref<80x128xf32, #tpu.memory_space<hbm>>) dst(%dma_wait3A_369 : memref<80x128xf32, #tpu.memory_space<vmem>>)
      %mul3A_373 = arith.constant 80 : i32
      %mul3A_374 = arith.muli %scan3A_349, %mul3A_373 : i32
      %dma_start3A_375 = arith.constant 0 : i32
      %dma_start3A_376 = arith.constant 0 : i32
      %dma_start3A_377 = tpu.memref_slice %arg8[%rem3A_352, %dma_start3A_375, %dma_start3A_376] : memref<2x80x128xf32, #tpu.memory_space<vmem>> -> memref<1x80x128xf32, #tpu.memory_space<vmem>>
      %dma_start3A_378 = tpu.memref_squeeze %dma_start3A_377 : memref<1x80x128xf32, #tpu.memory_space<vmem>> -> memref<80x128xf32, #tpu.memory_space<vmem>>
      %dma_start3A_379 = tpu.memref_slice %arg7[%mul3A_374] : memref<5120xi32, #tpu.memory_space<vmem>> -> memref<80xi32, #tpu.memory_space<vmem>>
      %dma_start3A_380 = arith.constant 0 : i32
      %dma_start3A_381 = arith.constant 0 : i32
      %dma_start3A_382 = tpu.memref_slice %arg5[%dma_start3A_380, %dma_start3A_381] : memref<10240x128xf32, #tpu.memory_space<vmem_shared>> -> memref<10240x128xf32, #tpu.memory_space<vmem_shared>>
      tpu.enqueue_indirect_dma source(%dma_start3A_378 : memref<80x128xf32, #tpu.memory_space<vmem>>) target(%dma_start3A_382 : memref<10240x128xf32, #tpu.memory_space<vmem_shared>>) offsets(%dma_start3A_379 : memref<80xi32, #tpu.memory_space<vmem>>) semaphore(%arg11 : memref<!tpu.dma_semaphore, #tpu.memory_space<semaphore_mem>>) {add = true}
      %scan3A_383 = arith.constant 0 : i32
      scf.yield %scan3A_383 : i32
    }
    %scan3A_270 = arith.constant 61 : i32
    %rem3A_271 = arith.constant 60 : i32
    %rem3A_272 = arith.constant 2 : i32
    %rem3A_273 = arith.remsi %rem3A_271, %rem3A_272 : i32
    %dma_wait3A_274 = arith.constant 0 : i32
    %dma_wait3A_275 = arith.constant 0 : i32
    %dma_wait3A_276 = tpu.memref_slice %arg8[%rem3A_273, %dma_wait3A_274, %dma_wait3A_275] : memref<2x80x128xf32, #tpu.memory_space<vmem>> -> memref<1x80x128xf32, #tpu.memory_space<vmem>>
    %dma_wait3A_277 = tpu.memref_squeeze %dma_wait3A_276 : memref<1x80x128xf32, #tpu.memory_space<vmem>> -> memref<80x128xf32, #tpu.memory_space<vmem>>
    %dma_wait3A_278 = arith.constant 0 : i32
    %dma_wait3A_279 = arith.constant 0 : i32
    %dma_wait3A_280 = tpu.memref_slice %arg5[%dma_wait3A_278, %dma_wait3A_279] : memref<10240x128xf32, #tpu.memory_space<vmem_shared>> -> memref<80x128xf32, #tpu.memory_space<vmem_shared>>
    %dma_wait3A_281 = arith.constant 0 : i32
    %dma_wait3A_282 = arith.constant 0 : i32
    %dma_wait3A_283 = tpu.memref_slice %arg5[%dma_wait3A_281, %dma_wait3A_282] : memref<10240x128xf32, #tpu.memory_space<vmem_shared>> -> memref<80x128xf32, #tpu.memory_space<vmem_shared>>
    %dma_wait3A_284 = arith.constant 0 : i32
    %dma_wait3A_285 = arith.constant 0 : i32
    %dma_wait3A_286 = tpu.memref_slice %arg8[%rem3A_273, %dma_wait3A_284, %dma_wait3A_285] : memref<2x80x128xf32, #tpu.memory_space<vmem>> -> memref<1x80x128xf32, #tpu.memory_space<vmem>>
    %dma_wait3A_287 = tpu.memref_squeeze %dma_wait3A_286 : memref<1x80x128xf32, #tpu.memory_space<vmem>> -> memref<80x128xf32, #tpu.memory_space<vmem>>
    tpu.wait_dma2 semaphore(%arg11 : memref<!tpu.dma_semaphore, #tpu.memory_space<semaphore_mem>>) src(%dma_wait3A_287 : memref<80x128xf32, #tpu.memory_space<vmem>>) dst(%dma_wait3A_283 : memref<80x128xf32, #tpu.memory_space<vmem_shared>>)
    %barrier3A_288 = arith.constant 0 : index
    tpu.barrier barrier_id(%barrier3A_288)
    %add3A_289 = arith.constant 0 : i32
    %add3A_290 = arith.addi %mul3A_8, %add3A_289 : i32
    %dma_start3A_291 = arith.constant 0 : i32
    %dma_start3A_292 = tpu.memref_slice %arg4[%arg0, %add3A_290, %dma_start3A_291] : memref<2x10240x128xf32, #tpu.memory_space<hbm>> -> memref<1x128x128xf32, #tpu.memory_space<hbm>>
    %dma_start3A_293 = tpu.memref_squeeze %dma_start3A_292 : memref<1x128x128xf32, #tpu.memory_space<hbm>> -> memref<128x128xf32, #tpu.memory_space<hbm>>
    %dma_start3A_294 = arith.constant 0 : i32
    %dma_start3A_295 = tpu.memref_slice %arg5[%add3A_290, %dma_start3A_294] : memref<10240x128xf32, #tpu.memory_space<vmem_shared>> -> memref<128x128xf32, #tpu.memory_space<vmem_shared>>
    tpu.enqueue_dma source(%dma_start3A_295 : memref<128x128xf32, #tpu.memory_space<vmem_shared>>) target(%dma_start3A_293 : memref<128x128xf32, #tpu.memory_space<hbm>>) target_semaphore(%arg10 : memref<!tpu.dma_semaphore, #tpu.memory_space<semaphore_mem>>)
    %add3A_296 = arith.constant 128 : i32
    %add3A_297 = arith.addi %mul3A_8, %add3A_296 : i32
    %dma_start3A_298 = arith.constant 0 : i32
    %dma_start3A_299 = tpu.memref_slice %arg4[%arg0, %add3A_297, %dma_start3A_298] : memref<2x10240x128xf32, #tpu.memory_space<hbm>> -> memref<1x128x128xf32, #tpu.memory_space<hbm>>
    %dma_start3A_300 = tpu.memref_squeeze %dma_start3A_299 : memref<1x128x128xf32, #tpu.memory_space<hbm>> -> memref<128x128xf32, #tpu.memory_space<hbm>>
    %dma_start3A_301 = arith.constant 0 : i32
    %dma_start3A_302 = tpu.memref_slice %arg5[%add3A_297, %dma_start3A_301] : memref<10240x128xf32, #tpu.memory_space<vmem_shared>> -> memref<128x128xf32, #tpu.memory_space<vmem_shared>>
    tpu.enqueue_dma source(%dma_start3A_302 : memref<128x128xf32, #tpu.memory_space<vmem_shared>>) target(%dma_start3A_300 : memref<128x128xf32, #tpu.memory_space<hbm>>) target_semaphore(%arg10 : memref<!tpu.dma_semaphore, #tpu.memory_space<semaphore_mem>>)
    %add3A_303 = arith.constant 256 : i32
    %add3A_304 = arith.addi %mul3A_8, %add3A_303 : i32
    %dma_start3A_305 = arith.constant 0 : i32
    %dma_start3A_306 = tpu.memref_slice %arg4[%arg0, %add3A_304, %dma_start3A_305] : memref<2x10240x128xf32, #tpu.memory_space<hbm>> -> memref<1x128x128xf32, #tpu.memory_space<hbm>>
    %dma_start3A_307 = tpu.memref_squeeze %dma_start3A_306 : memref<1x128x128xf32, #tpu.memory_space<hbm>> -> memref<128x128xf32, #tpu.memory_space<hbm>>
    %dma_start3A_308 = arith.constant 0 : i32
    %dma_start3A_309 = tpu.memref_slice %arg5[%add3A_304, %dma_start3A_308] : memref<10240x128xf32, #tpu.memory_space<vmem_shared>> -> memref<128x128xf32, #tpu.memory_space<vmem_shared>>
    tpu.enqueue_dma source(%dma_start3A_309 : memref<128x128xf32, #tpu.memory_space<vmem_shared>>) target(%dma_start3A_307 : memref<128x128xf32, #tpu.memory_space<hbm>>) target_semaphore(%arg10 : memref<!tpu.dma_semaphore, #tpu.memory_space<semaphore_mem>>)
    %add3A_310 = arith.constant 384 : i32
    %add3A_311 = arith.addi %mul3A_8, %add3A_310 : i32
    %dma_start3A_312 = arith.constant 0 : i32
    %dma_start3A_313 = tpu.memref_slice %arg4[%arg0, %add3A_311, %dma_start3A_312] : memref<2x10240x128xf32, #tpu.memory_space<hbm>> -> memref<1x128x128xf32, #tpu.memory_space<hbm>>
    %dma_start3A_314 = tpu.memref_squeeze %dma_start3A_313 : memref<1x128x128xf32, #tpu.memory_space<hbm>> -> memref<128x128xf32, #tpu.memory_space<hbm>>
    %dma_start3A_315 = arith.constant 0 : i32
    %dma_start3A_316 = tpu.memref_slice %arg5[%add3A_311, %dma_start3A_315] : memref<10240x128xf32, #tpu.memory_space<vmem_shared>> -> memref<128x128xf32, #tpu.memory_space<vmem_shared>>
    tpu.enqueue_dma source(%dma_start3A_316 : memref<128x128xf32, #tpu.memory_space<vmem_shared>>) target(%dma_start3A_314 : memref<128x128xf32, #tpu.memory_space<hbm>>) target_semaphore(%arg10 : memref<!tpu.dma_semaphore, #tpu.memory_space<semaphore_mem>>)
    %add3A_317 = arith.constant 512 : i32
    %add3A_318 = arith.addi %mul3A_8, %add3A_317 : i32
    %dma_start3A_319 = arith.constant 0 : i32
    %dma_start3A_320 = tpu.memref_slice %arg4[%arg0, %add3A_318, %dma_start3A_319] : memref<2x10240x128xf32, #tpu.memory_space<hbm>> -> memref<1x128x128xf32, #tpu.memory_space<hbm>>
    %dma_start3A_321 = tpu.memref_squeeze %dma_start3A_320 : memref<1x128x128xf32, #tpu.memory_space<hbm>> -> memref<128x128xf32, #tpu.memory_space<hbm>>
    %dma_start3A_322 = arith.constant 0 : i32
    %dma_start3A_323 = tpu.memref_slice %arg5[%add3A_318, %dma_start3A_322] : memref<10240x128xf32, #tpu.memory_space<vmem_shared>> -> memref<128x128xf32, #tpu.memory_space<vmem_shared>>
    tpu.enqueue_dma source(%dma_start3A_323 : memref<128x128xf32, #tpu.memory_space<vmem_shared>>) target(%dma_start3A_321 : memref<128x128xf32, #tpu.memory_space<hbm>>) target_semaphore(%arg10 : memref<!tpu.dma_semaphore, #tpu.memory_space<semaphore_mem>>)
    %dma_wait3A_324 = arith.constant 0 : i32
    %dma_wait3A_325 = tpu.memref_slice %arg4[%arg0, %mul3A_8, %dma_wait3A_324] : memref<2x10240x128xf32, #tpu.memory_space<hbm>> -> memref<1x128x128xf32, #tpu.memory_space<hbm>>
    %dma_wait3A_326 = tpu.memref_squeeze %dma_wait3A_325 : memref<1x128x128xf32, #tpu.memory_space<hbm>> -> memref<128x128xf32, #tpu.memory_space<hbm>>
    %dma_wait3A_327 = arith.constant 0 : i32
    %dma_wait3A_328 = tpu.memref_slice %arg5[%mul3A_8, %dma_wait3A_327] : memref<10240x128xf32, #tpu.memory_space<vmem_shared>> -> memref<128x128xf32, #tpu.memory_space<vmem_shared>>
    tpu.wait_dma2 semaphore(%arg10 : memref<!tpu.dma_semaphore, #tpu.memory_space<semaphore_mem>>) src(%dma_wait3A_328 : memref<128x128xf32, #tpu.memory_space<vmem_shared>>) dst(%dma_wait3A_326 : memref<128x128xf32, #tpu.memory_space<hbm>>)
    %dma_wait3A_329 = arith.constant 0 : i32
    %dma_wait3A_330 = tpu.memref_slice %arg4[%arg0, %mul3A_8, %dma_wait3A_329] : memref<2x10240x128xf32, #tpu.memory_space<hbm>> -> memref<1x128x128xf32, #tpu.memory_space<hbm>>
    %dma_wait3A_331 = tpu.memref_squeeze %dma_wait3A_330 : memref<1x128x128xf32, #tpu.memory_space<hbm>> -> memref<128x128xf32, #tpu.memory_space<hbm>>
    %dma_wait3A_332 = arith.constant 0 : i32
    %dma_wait3A_333 = tpu.memref_slice %arg5[%mul3A_8, %dma_wait3A_332] : memref<10240x128xf32, #tpu.memory_space<vmem_shared>> -> memref<128x128xf32, #tpu.memory_space<vmem_shared>>
    tpu.wait_dma2 semaphore(%arg10 : memref<!tpu.dma_semaphore, #tpu.memory_space<semaphore_mem>>) src(%dma_wait3A_333 : memref<128x128xf32, #tpu.memory_space<vmem_shared>>) dst(%dma_wait3A_331 : memref<128x128xf32, #tpu.memory_space<hbm>>)
    %dma_wait3A_334 = arith.constant 0 : i32
    %dma_wait3A_335 = tpu.memref_slice %arg4[%arg0, %mul3A_8, %dma_wait3A_334] : memref<2x10240x128xf32, #tpu.memory_space<hbm>> -> memref<1x128x128xf32, #tpu.memory_space<hbm>>
    %dma_wait3A_336 = tpu.memref_squeeze %dma_wait3A_335 : memref<1x128x128xf32, #tpu.memory_space<hbm>> -> memref<128x128xf32, #tpu.memory_space<hbm>>
    %dma_wait3A_337 = arith.constant 0 : i32
    %dma_wait3A_338 = tpu.memref_slice %arg5[%mul3A_8, %dma_wait3A_337] : memref<10240x128xf32, #tpu.memory_space<vmem_shared>> -> memref<128x128xf32, #tpu.memory_space<vmem_shared>>
    tpu.wait_dma2 semaphore(%arg10 : memref<!tpu.dma_semaphore, #tpu.memory_space<semaphore_mem>>) src(%dma_wait3A_338 : memref<128x128xf32, #tpu.memory_space<vmem_shared>>) dst(%dma_wait3A_336 : memref<128x128xf32, #tpu.memory_space<hbm>>)
    %dma_wait3A_339 = arith.constant 0 : i32
    %dma_wait3A_340 = tpu.memref_slice %arg4[%arg0, %mul3A_8, %dma_wait3A_339] : memref<2x10240x128xf32, #tpu.memory_space<hbm>> -> memref<1x128x128xf32, #tpu.memory_space<hbm>>
    %dma_wait3A_341 = tpu.memref_squeeze %dma_wait3A_340 : memref<1x128x128xf32, #tpu.memory_space<hbm>> -> memref<128x128xf32, #tpu.memory_space<hbm>>
    %dma_wait3A_342 = arith.constant 0 : i32
    %dma_wait3A_343 = tpu.memref_slice %arg5[%mul3A_8, %dma_wait3A_342] : memref<10240x128xf32, #tpu.memory_space<vmem_shared>> -> memref<128x128xf32, #tpu.memory_space<vmem_shared>>
    tpu.wait_dma2 semaphore(%arg10 : memref<!tpu.dma_semaphore, #tpu.memory_space<semaphore_mem>>) src(%dma_wait3A_343 : memref<128x128xf32, #tpu.memory_space<vmem_shared>>) dst(%dma_wait3A_341 : memref<128x128xf32, #tpu.memory_space<hbm>>)
    %dma_wait3A_344 = arith.constant 0 : i32
    %dma_wait3A_345 = tpu.memref_slice %arg4[%arg0, %mul3A_8, %dma_wait3A_344] : memref<2x10240x128xf32, #tpu.memory_space<hbm>> -> memref<1x128x128xf32, #tpu.memory_space<hbm>>
    %dma_wait3A_346 = tpu.memref_squeeze %dma_wait3A_345 : memref<1x128x128xf32, #tpu.memory_space<hbm>> -> memref<128x128xf32, #tpu.memory_space<hbm>>
    %dma_wait3A_347 = arith.constant 0 : i32
    %dma_wait3A_348 = tpu.memref_slice %arg5[%mul3A_8, %dma_wait3A_347] : memref<10240x128xf32, #tpu.memory_space<vmem_shared>> -> memref<128x128xf32, #tpu.memory_space<vmem_shared>>
    tpu.wait_dma2 semaphore(%arg10 : memref<!tpu.dma_semaphore, #tpu.memory_space<semaphore_mem>>) src(%dma_wait3A_348 : memref<128x128xf32, #tpu.memory_space<vmem_shared>>) dst(%dma_wait3A_346 : memref<128x128xf32, #tpu.memory_space<hbm>>)
    return
  }
}

</mosaic_0001>

<sc_bundles>
// kernel: _sc_aggregate.3.cloned.1.call-start
scs
__scs_entry_jumppad:
0x0: {  	(pc) =	sbr.rel $0x88, $3  }
0x1: {  	(tag) =	ssettag $0x0;
	lr =	simm.s32 $0x1  }
0x2: {  	[smem:$0x3F9F] =	sst lr;
	_ =	strace $0xD0000000  }
0x3: {  	_ = 	snop  }
0x4: {  	_ = 	snop  }
0x5: {  	_ = 	snop  }
0x6: {  	_ = 	snop  }
0x7: {  	_ = 	snop  }
__scs_overlays_trampoline_lowered:
0x8: {  	[smem:$0x3FAE] =	sst s0  }
0x9: {  	[smem:$0x3FAF] =	sst s1  }
0xa: {  	[smem:$0x3FB0] =	sst s2  }
0xb: {  	[smem:$0x3FB1] =	sst s3  }
0xc: {  	[smem:$0x3FB2] =	sst s4  }
0xd: {  	[smem:$0x3FB3] =	sst s5  }
0xe: {  	[smem:$0x3FB4] =	sst s6  }
0xf: {  	[smem:$0x3FB5] =	sst s7  }
0x10: {  	[smem:$0x3FB6] =	sst s8  }
0x11: {  	[smem:$0x3FB7] =	sst s9;
	s0 =	simm.s32 @!p0 $0x0  }
0x12: {  	s1 =	sld [smem:$0x3F9D];
	s0 =	simm.s32 @p0 $0x1  }
0x13: {  	[smem:$0x3FB8] =	sst s0;
	s0 =	simm.s32 @!p1 $0x0  }
0x14: {  	s2 =	sld [smem:$0x3F9C];
	s0 =	simm.s32 @p1 $0x1  }
0x15: {  	[smem:$0x3FB9] =	sst s0;
	s0 =	simm.s32 @!p2 $0x0  }
0x16: {  	s3 =	sld [smem:$0x3FDB];
	s0 =	simm.s32 @p2 $0x1  }
0x17: {  	s4 =	simm.s32 $0x1BF5;
	[smem:$0x3FBB] =	sst s0  }
0x18: {  	s0 =	sld [smem:$0x3F9E];
	_ =	swait.ge [sflag:s4], $0x0  }
0x19: {  	s7 =	sld [smem:$0x3F9F]  }
0x1a: {  	s8 =	sadd.s32 $0xFFFFE003, lr  }
0x1b: {  	s9 =	sadd.s32 $0xFFFFFEF7, lr;
	s5 =	simm.s32 $0xFFFFFFFF;
	p2 =	slt.u32 s8, $0xFFFFF086  }
0x1c: {  	p1 =	slt.u32 s9, $0xF7A;
	s5 =	simm.s32 @!p2 $0x0  }
0x1d: {  	s5 =	simm.s32 @p1 $0x1;
	p0 =	seq.s32 s7, s2  }
0x1e: {  	s7 =	smul.u32 @!p0 $0xF7A, s2;
	p2 =	seq.s32 @!p0 s5, $0x0  }
0x1f: {  	s9 =	smul.u32 $0xF7A, s1;
	s8 =	simm.s32 @!p0 $0x1BF5;
	p2 =	por !p2, p0  }
0x20: {  	[sflag:s8] =	ssyncset.s32 @!p0 $0xFFFFF086;
	s6 =	sadd.s32 @!p0 s3, s7;
	s7 =	simm.s32 @!p0 $0x108  }
0x21: {  	s3 =	sadd.s32 s3, s9;
	s6 =	sadd.s32 @!p0 $0x88, s6;
	s7 =	simm.s32 @p2 $0x1082  }
0x22: {  	[simem:s7], [sflag:s8] =	dma.local @!p0 [hbm:s6], $0xF7A  }
0x23: {  	s9 =	sor.u32 $0xD0000000, s2;
	s6 =	simm.s32 $0x108;
	_ =	swait.ge @!p0 [sflag:s8], $0x0  }
0x24: {  	s3 =	sadd.s32 $0x88, s3;
	s6 =	simm.s32 @!p1 $0x1082;
	[sflag:s4] =	ssyncset.s32 $0xFFFFF086  }
0x25: {  	[simem:s6], [sflag:s4] =	dma.local [hbm:s3], $0xF7A  }
0x26: {  	[smem:$0x3F9F] =	sst s1;
	(tag) =	ssettag s2;
	_ =	strace s9  }
0x27: {  	s1 =	sld [smem:$0x3FAF]  }
0x28: {  	s2 =	sld [smem:$0x3FB0]  }
0x29: {  	s4 =	sld [smem:$0x3FB2]  }
0x2a: {  	p0 =	seq.s32 s5, $0x0;
	s5 =	sld [smem:$0x3FB3]  }
0x2b: {  	s6 =	sld [smem:$0x3FB4]  }
0x2c: {  	s7 =	sld [smem:$0x3FB5]  }
0x2d: {  	s3 =	simm.s32 $0x108;
	s8 =	sld [smem:$0x3FB6]  }
0x2e: {  	s3 =	simm.s32 @!p0 $0x1082;
	s9 =	sld [smem:$0x3FB7]  }
0x2f: {  	lr =	sadd.s32 s0, s3;
	s0 =	sld [smem:$0x3FAE]  }
0x30: {  	s3 =	sld [smem:$0x3FB1]  }
0x31: {  	[smem:$0x3FBA] =	sst s10  }
0x32: {  	s10 =	sld [smem:$0x3FB8];
	_ =	sdelay $0x3  }
0x33: {  	p0 =	seq.s32 s10, $0x1;
	s10 =	sld [smem:$0x3FBA];
	_ =	sdelay $0x3  }
0x34: {  	[smem:$0x3FBA] =	sst s10  }
0x35: {  	s10 =	sld [smem:$0x3FB9];
	_ =	sdelay $0x3  }
0x36: {  	p1 =	seq.s32 s10, $0x1;
	s10 =	sld [smem:$0x3FBA];
	_ =	sdelay $0x3  }
0x37: {  	[smem:$0x3FBA] =	sst s10  }
0x38: {  	s10 =	sld [smem:$0x3FBB]  }
0x39: {  	_ = 	snop;
	(pc) =	sbr.ind lr, $3  }
0x3a: {  	_ = 	snop  }
0x3b: {  	_ = 	snop  }
0x3c: {  	p2 =	seq.s32 s10, $0x1;
	s10 =	sld [smem:$0x3FBA]  }
0x3d: {  	_ =	shalt  }
0x3e: {  	_ =	shalt  }
0x3f: {  	_ =	shalt  }
0x40: {  	_ =	shalt  }
0x41: {  	_ =	shalt  }
0x42: {  	_ =	shalt  }
0x43: {  	_ =	shalt  }
0x44: {  	_ =	shalt  }
0x45: {  	_ =	shalt  }
0x46: {  	_ =	shalt  }
0x47: {  	_ =	shalt  }
0x48: {  	_ =	shalt  }
0x49: {  	_ =	shalt  }
0x4a: {  	_ =	shalt  }
0x4b: {  	_ =	shalt  }
0x4c: {  	_ =	shalt  }
0x4d: {  	_ =	shalt  }
0x4e: {  	_ =	shalt  }
0x4f: {  	_ =	shalt  }
0x50: {  	_ =	shalt  }
0x51: {  	_ =	shalt  }
0x52: {  	_ =	shalt  }
0x53: {  	_ =	shalt  }
0x54: {  	_ =	shalt  }
0x55: {  	_ =	shalt  }
0x56: {  	_ =	shalt  }
0x57: {  	_ =	shalt  }
0x58: {  	_ =	shalt  }
0x59: {  	_ =	shalt  }
0x5a: {  	_ =	shalt  }
0x5b: {  	_ =	shalt  }
0x5c: {  	_ =	shalt  }
0x5d: {  	_ =	shalt  }
0x5e: {  	_ =	shalt  }
0x5f: {  	_ =	shalt  }
0x60: {  	_ =	shalt  }
0x61: {  	_ =	shalt  }
0x62: {  	_ =	shalt  }
0x63: {  	_ =	shalt  }
0x64: {  	_ =	shalt  }
0x65: {  	_ =	shalt  }
0x66: {  	_ =	shalt  }
0x67: {  	_ =	shalt  }
0x68: {  	_ =	shalt  }
0x69: {  	_ =	shalt  }
0x6a: {  	_ =	shalt  }
0x6b: {  	_ =	shalt  }
0x6c: {  	_ =	shalt  }
0x6d: {  	_ =	shalt  }
0x6e: {  	_ =	shalt  }
0x6f: {  	_ =	shalt  }
0x70: {  	_ =	shalt  }
0x71: {  	_ =	shalt  }
0x72: {  	_ =	shalt  }
0x73: {  	_ =	shalt  }
0x74: {  	_ =	shalt  }
0x75: {  	_ =	shalt  }
0x76: {  	_ =	shalt  }
0x77: {  	_ =	shalt  }
0x78: {  	_ =	shalt  }
0x79: {  	_ =	shalt  }
0x7a: {  	_ =	shalt  }
0x7b: {  	_ =	shalt  }
0x7c: {  	_ =	shalt  }
0x7d: {  	_ =	shalt  }
0x7e: {  	_ =	shalt  }
0x7f: {  	_ =	shalt  }
0x80: {  	_ =	shalt  }
0x81: {  	_ =	shalt  }
0x82: {  	_ =	shalt  }
0x83: {  	_ =	shalt  }
0x84: {  	_ =	shalt  }
0x85: {  	_ =	shalt  }
0x86: {  	_ =	shalt  }
0x87: {  	_ =	shalt  }
.Lfunc_end0:
.L_simem_size_0:
called_computation_lowered:
.L_overlay_start_0:
0x88: {  	s2 =	sld [smem:$0x3FD9]  }
0x89: {  	s3 =	sld [smem:$0x3FFE];
	_ =	sdelay $0x1  }
0x8a: {  	s1 =	srdreg.scid  }
0x8b: {  	s0 =	sand.u32 $0x1, s1  }
0x8c: {  	s18 =	sshll.u32 s0, $0xA;
	s2 =	sadd.s32 s3, s2  }
0x8d: {  	s2 =	sadd.s32 s2, s18  }
0x8e: {  	[smem:$0x3FC6] =	sst s2  }
0x8f: {  	_ = 	snop  }
0x90: {  	s2 =	sld [smem:$0x3FC9]  }
0x91: {  	s19 =	sld [smem:$0x3FC8]  }
0x92: {  	s4 =	sld [smem:$0x3FD0];
	(tm) =	ssettm $0x1  }
0x93: {  	s5 =	sld [smem:$0x3FFB];
	_ =	sdelay $0x3  }
0x94: {  	_ =	strace s5  }
0x95: {  	s5 =	sld [smem:$0x3FFC];
	_ =	sdelay $0x3  }
0x96: {  	_ =	strace s5  }
0x97: {  	s5 =	sld [smem:$0x3FFD];
	_ =	sdelay $0x3  }
0x98: {  	_ =	strace s5  }
0x99: {  	_ =	strace $0x8FFFFFFF  }
0x9a: {  	s20 =	sld [smem:$0x3FDB];
	_ =	sdelay $0x1  }
0x9b: {  	s6 =	simm.s32 $_scs_section_size  }
0x9c: {  	s7 =	simm.s32 $_size__tile_overlayer_lowered;
	s8 =	simm.s32 $_tile_overlayer_lowered  }
0x9d: {  	s23 =	simm.s32 $0x1BFF;
	s22 =	sshll.u32 s8, $0x1;
	s5 =	sadd.s32 s6, s20  }
0x9e: {  	s9 =	simm.s32 $0x0;
	s21 =	sshll.u32 s7, $0x1;
	s7 =	sadd.s32 s22, s5  }
0x9f: {  	[timem:s9], [sflag:s23] =	dma.local [hbm:s7], s21  }
0xa0: {  	_ =	swait.ge [sflag:s23], s21  }
0xa1: {  	s6 =	ssub.s32 $0x0, s21;
	[sflag:s23] =	ssyncset.done $0x0  }
0xa2: {  	[sflag:s23] =	ssyncadd.s32 s6;
	_ =	sdelay $0x1  }
0xa3: {  	s24 =	simm.s32 $0x1B8B  }
0xa4: {  	_ =	swait.ge [sflag:s24], $0x1  }
0xa5: {  	[sflag:s24] =	ssyncset.done $0x0  }
0xa6: {  	s25 =	simm.s32 $0x1B8E;
	[sflag:s24] =	ssyncadd.s32 $0xFFFFFFFF  }
0xa7: {  	s26 =	simm.s32 $execute0_lowered;
	[smem:$0x3FD2] =	sst s25  }
0xa8: {  	s6 =	sshll.u32 s26, $0x1;
	_ =	strace $0x80000046;
	[dreg:$0x1] =	wrdreg $0xFFFFFFFF  }
0xa9: {  	s28 =	simm.s32 $_size_execute0_lowered;
	s5 =	sadd.s32 s5, s6;
	[dreg:$0x0] =	wrdreg $0x0  }
0xaa: {  	s6 =	sshll.u32 s28, $0x1;
	[dreg:$0x2] =	wrdreg s5  }
0xab: {  	[dreg:$0x3] =	wrdreg s6  }
0xac: {  	[dreg:$0x4] =	wrdreg $0xC0  }
0xad: {  	_ =	task [dreg:s9], $0x5FFFF  }
0xae: {  	[dreg:$0x1] =	wrdreg $0xFFFFFFFF  }
0xaf: {  	[dreg:$0x0] =	wrdreg $0x60  }
0xb0: {  	[dreg:$0x2] =	wrdreg s2  }
0xb1: {  	[dreg:$0x3] =	wrdreg s19  }
0xb2: {  	[dreg:$0x4] =	wrdreg s4  }
0xb3: {  	[dreg:$0x5] =	wrdreg $0x0  }
0xb4: {  	[dreg:$0x6] =	wrdreg $0x9  }
0xb5: {  	_ =	task.clear_ibuf [dreg:s9], $0x7FFFF;
	_ =	strace $0x90000046  }
0xb6: {  	s29 =	simm.s32 $0x9;
	_ =	strace $0x80000048  }
0xb7: {  	_ =	swait.ge [sflag:s29], $0x1  }
0xb8: {  	[sflag:s29] =	ssyncadd.s32 $0xFFFFFFFF  }
0xb9: {  	_ =	strace $0x90000048  }
0xba: {  	_ =	sfence  }
0xbb: {  	s30 =	sld [smem:$0x0];
	_ =	sdelay $0x2  }
0xbc: {  	s31 =	sshll.u32 s1, $0xD;
	s1 =	sshrl.u32 s1, $0x2  }
0xbd: {  	s3 =	sand.u32 $0x4000, s31;
	s1 =	sadd.s32 s1, s30  }
0xbe: {  	s0 =	sor.u32 s3, s0;
	s1 =	sshll.u32 s1, $0x11  }
0xbf: {  	s0 =	sor.u32 s1, s0  }
0xc0: {  	s0 =	sadd.s32 $0x8F2B, s0  }
0xc1: {  	[sflag:s0] =	ssyncadd.remote.s32 $0x1  }
0xc2: {  	_ =	sfence.sel $0xFFFF  }
0xc3: {  	[dreg:$0x0] =	wrdreg $0xFFFFFFFF;
	(pc) =	sbr.abs _section_cstart, $3  }
0xc4: {  	[dreg:$0x1] =	wrdreg $0xFFFFFFFF  }
0xc5: {  	_ =	task.clear_ibuf [dreg:s9], $0x2FFFF;
	_ =	strace $0x9FFFFFFF  }
0xc6: {  	(tm) =	ssettm $0x7FFFFFFF  }
0xc7: {  	_ =	shalt  }
tec
execute0_lowered:
.L_overlay_start_1:
0x0: {  	(tag) =	ssettag $0x1  }
0x1: {  	s1 =	rddreg [dreg:$0x0]  }
0x2: {  	s0 =	rddreg [dreg:$0x1]  }
0x3: {  	s2 =	rddreg [dreg:$0x2]  }
0x4: {  	s3 =	rddreg [dreg:$0x3];
	s9 =	stileid.u32  }
0x5: {  	s4 =	simm.s32 $0x0;
	s5 =	srdreg.scid;
	s22 =	smul.u32 $0x50000, s9  }
0x6: {  	[smem:$0x7FF] =	sst s4;
	s6 =	sand.u32 $0x1, s5;
	s10 =	smul.u32 $0x14000, s9  }
0x7: {  	s23 =	sshll.u32 s9, $0x1;
	_ =	strace $0x80000047;
	s7 =	ssub.s32 $0x2, s6  }
0x8: {  	s8 =	sshrl.u32 s7, $0x1;
	s5 =	sshrl.u32 s22, $0x2;
	s11 =	sadd.s32 $0x4000, s10  }
0x9: {  	s29 =	sadd.s32 $0x8000, s10;
	s31 =	sadd.s32 $0xC000, s10;
	s5 =	sadd.s32 s5, s3  }
0xa: {  	s15 =	sadd.s32 $0x10000, s10;
	s7 =	ssub.s32 s7, s8;
	s24 =	sadd.s32 $0x1000, s5  }
0xb: {  	s8 =	sor.u32 s6, s23;
	s25 =	sadd.s32 $0x2000, s5;
	[dreg:$0x5] =	wrdreg s24  }
0xc: {  	s9 =	sadd.s32 s11, s3;
	s26 =	sadd.s32 $0x3000, s5;
	[dreg:$0x6] =	wrdreg s25  }
0xd: {  	s6 =	smul.u32 $0x140000, s6;
	s12 =	sadd.s32 $0x5000, s5;
	[dreg:$0x7] =	wrdreg s26  }
0xe: {  	s23 =	sadd.s32 s31, s3;
	s28 =	sadd.s32 $0x6000, s5;
	[dreg:$0x8] =	wrdreg s12  }
0xf: {  	s13 =	sadd.s32 $0x7000, s5;
	s14 =	sadd.s32 $0x9000, s5;
	[dreg:$0x9] =	wrdreg s28  }
0x10: {  	s30 =	sadd.s32 $0xA000, s5;
	s8 =	smul.u32 $0x2710, s8;
	[dreg:$0xa] =	wrdreg s13  }
0x11: {  	s20 =	sadd.s32 $0xB000, s5;
	s21 =	smax.u32 s7, $0x1;
	[dreg:$0xb] =	wrdreg s14  }
0x12: {  	s22 =	sadd.s32 $0xD000, s5;
	s13 =	sadd.s32 s29, s3;
	[dreg:$0xc] =	wrdreg s30  }
0x13: {  	s10 =	sadd.s32 s10, s6;
	s11 =	sadd.s32 s6, s11;
	[dreg:$0x12] =	wrdreg s20  }
0x14: {  	s12 =	sadd.s32 s6, s29;
	s17 =	sadd.s32 s6, s31;
	[dreg:$0x13] =	wrdreg s21  }
0x15: {  	s6 =	sadd.s32 s6, s15;
	s24 =	sadd.s32 s15, s3;
	[dreg:$0x14] =	wrdreg s22  }
0x16: {  	s25 =	sadd.s32 $0xE000, s5;
	s26 =	sadd.s32 $0xF000, s5;
	s28 =	sadd.s32 $0x11000, s5  }
0x17: {  	s29 =	sadd.s32 $0x12000, s5;
	s30 =	sadd.s32 $0x13000, s5;
	[dreg:$0x15] =	wrdreg s25  }
0x18: {  	s14 =	simm.s32 $0x50;
	s15 =	simm.s32 $0x16800;
	[dreg:$0x16] =	wrdreg s26  }
0x19: {  	s20 =	simm.s32 $0x1;
	s21 =	simm.s32 $0x0;
	[dreg:$0x17] =	wrdreg s28  }
0x1a: {  	s8 =	sshrl.u32 s8, $0x3;
	s10 =	sshrl.u32 s10, $0x3;
	[dreg:$0x18] =	wrdreg s29  }
0x1b: {  	s11 =	sshrl.u32 s11, $0x3;
	s19 =	sshrl.u32 s6, $0x3;
	[dreg:$0x19] =	wrdreg s30  }
0x1c: {  	s16 =	sadd.s32 s0, s8;
	s10 =	sadd.s32 s2, s10;
	s0 =	sadd.s32 s2, s11  }
0x1d: {  	s8 =	sshrl.u32 s17, $0x3;
	s11 =	simm.s32 $0x3;
	[dreg:$0xd] =	wrdreg s10  }
0x1e: {  	s17 =	simm.s32 $0x2;
	[dreg:$0xe] =	wrdreg s0;
	s0 =	sshrl.u32 s12, $0x3  }
0x1f: {  	s18 =	sadd.s32 s2, s8;
	s31 =	sadd.s32 $0x9C40, s16;
	s6 =	sadd.s32 $0x280, s16  }
0x20: {  	s7 =	sadd.s32 $0x9EC0, s16;
	s8 =	simm.s32 $0x1B800;
	[dreg:$0x10] =	wrdreg s18  }
0x21: {  	s10 =	simm.s32 $0x14000;
	s0 =	sadd.s32 s2, s0;
	[dreg:$0x1a] =	wrdreg s31  }
0x22: {  	s12 =	simm.s32 $0x15400;
	[dreg:$0xf] =	wrdreg s0;
	s0 =	sadd.s32 s2, s19  }
0x23: {  	v0 =	vimm.f32 $0.0e+00;
	s18 =	simm.s32 $0x14050;
	s19 =	simm.s32 $0x19000;
	[dreg:$0x11] =	wrdreg s0  }
.LBB2_1:
0x24: {  	s22 =	simm.s32 $0x0;
	s25 =	simm.s32 $0x200  }
.LBB2_2:
0x25: {  	p0 =	sne.s32 s25, $0x3E00;
	[tilespmem:s22+$0x1B870] =	vst v0  }
0x26: {  	[tilespmem:s22+$0x1B800] =	vst v0  }
0x27: {  	[tilespmem:s22+$0x1B810] =	vst v0  }
.Ltmp0:
0x28: {  	[tilespmem:s22+$0x1B820] =	vst v0;
	(pc) =	sbr.rel @p0 .LBB2_2-.Ltmp0, $4  }
0x29: {  	[tilespmem:s22+$0x1B830] =	vst v0  }
0x2a: {  	[tilespmem:s22+$0x1B840] =	vst v0  }
0x2b: {  	[tilespmem:s22+$0x1B850] =	vst v0  }
0x2c: {  	[tilespmem:s22+$0x1B860] =	vst v0;
	s22 =	sshra.s32 s25, $0x2;
	s25 =	sadd.s32 $0x200, s25  }
0x2d: {  	[tilespmem:s22+$0x1B870] =	vst v0  }
0x2e: {  	[tilespmem:s22+$0x1B800] =	vst v0  }
0x2f: {  	[tilespmem:s22+$0x1B810] =	vst v0  }
0x30: {  	[tilespmem:s22+$0x1B820] =	vst v0  }
0x31: {  	[tilespmem:s22+$0x1B830] =	vst v0  }
0x32: {  	[tilespmem:s22+$0x1B840] =	vst v0  }
0x33: {  	[tilespmem:s22+$0x1B850] =	vst v0  }
0x34: {  	[tilespmem:s22+$0x1B860] =	vst v0  }
0x35: {  	[spmem:s5] =	stream.linear.scatter [tilespmem:s8], [sflag:$0x2], $0x1000, $0x38;
	[tilespmem:$0x1C800] =	vst v63  }
0x36: {  	s0 =	rddreg [dreg:$0x5]  }
0x37: {  	[spmem:s0] =	stream.linear.scatter [tilespmem:s8], [sflag:$0x2], $0x1000, $0x38;
	[tilespmem:$0x1C800] =	vst v63  }
0x38: {  	s26 =	rddreg [dreg:$0x6]  }
0x39: {  	[spmem:s26] =	stream.linear.scatter [tilespmem:s8], [sflag:$0x2], $0x1000, $0x38;
	[tilespmem:$0x1C800] =	vst v63  }
0x3a: {  	s31 =	rddreg [dreg:$0x7]  }
0x3b: {  	[spmem:s31] =	stream.linear.scatter [tilespmem:s8], [sflag:$0x2], $0x1000, $0x38;
	[tilespmem:$0x1C800] =	vst v63  }
0x3c: {  	_ = 	snop  }
0x3d: {  	[spmem:s9] =	stream.linear.scatter [tilespmem:s8], [sflag:$0x2], $0x1000, $0x38;
	[tilespmem:$0x1C800] =	vst v63  }
0x3e: {  	s2 =	rddreg [dreg:$0x8]  }
0x3f: {  	[spmem:s2] =	stream.linear.scatter [tilespmem:s8], [sflag:$0x2], $0x1000, $0x38;
	[tilespmem:$0x1C800] =	vst v63  }
0x40: {  	s22 =	rddreg [dreg:$0x9]  }
0x41: {  	[spmem:s22] =	stream.linear.scatter [tilespmem:s8], [sflag:$0x2], $0x1000, $0x38;
	[tilespmem:$0x1C800] =	vst v63  }
0x42: {  	s25 =	rddreg [dreg:$0xa]  }
0x43: {  	[spmem:s25] =	stream.linear.scatter [tilespmem:s8], [sflag:$0x2], $0x1000, $0x38;
	[tilespmem:$0x1C800] =	vst v63  }
0x44: {  	_ = 	snop  }
0x45: {  	[spmem:s13] =	stream.linear.scatter [tilespmem:s8], [sflag:$0x2], $0x1000, $0x38;
	[tilespmem:$0x1C800] =	vst v63  }
0x46: {  	s26 =	rddreg [dreg:$0xb]  }
0x47: {  	[spmem:s26] =	stream.linear.scatter [tilespmem:s8], [sflag:$0x2], $0x1000, $0x38;
	[tilespmem:$0x1C800] =	vst v63  }
0x48: {  	s31 =	rddreg [dreg:$0xc]  }
0x49: {  	[spmem:s31] =	stream.linear.scatter [tilespmem:s8], [sflag:$0x2], $0x1000, $0x38;
	[tilespmem:$0x1C800] =	vst v63  }
0x4a: {  	s2 =	rddreg [dreg:$0x12]  }
0x4b: {  	[spmem:s2] =	stream.linear.scatter [tilespmem:s8], [sflag:$0x2], $0x1000, $0x38;
	[tilespmem:$0x1C800] =	vst v63  }
0x4c: {  	_ = 	snop  }
0x4d: {  	[spmem:s23] =	stream.linear.scatter [tilespmem:s8], [sflag:$0x2], $0x1000, $0x38;
	[tilespmem:$0x1C800] =	vst v63  }
0x4e: {  	s22 =	rddreg [dreg:$0x14]  }
0x4f: {  	[spmem:s22] =	stream.linear.scatter [tilespmem:s8], [sflag:$0x2], $0x1000, $0x38;
	[tilespmem:$0x1C800] =	vst v63  }
0x50: {  	s25 =	rddreg [dreg:$0x15]  }
0x51: {  	[spmem:s25] =	stream.linear.scatter [tilespmem:s8], [sflag:$0x2], $0x1000, $0x38;
	[tilespmem:$0x1C800] =	vst v63  }
0x52: {  	s26 =	rddreg [dreg:$0x16]  }
0x53: {  	[spmem:s26] =	stream.linear.scatter [tilespmem:s8], [sflag:$0x2], $0x1000, $0x38;
	[tilespmem:$0x1C800] =	vst v63  }
0x54: {  	_ = 	snop  }
0x55: {  	[spmem:s24] =	stream.linear.scatter [tilespmem:s8], [sflag:$0x2], $0x1000, $0x38;
	[tilespmem:$0x1C800] =	vst v63  }
0x56: {  	s31 =	rddreg [dreg:$0x17]  }
0x57: {  	[spmem:s31] =	stream.linear.scatter [tilespmem:s8], [sflag:$0x2], $0x1000, $0x38;
	[tilespmem:$0x1C800] =	vst v63  }
0x58: {  	s2 =	rddreg [dreg:$0x18]  }
0x59: {  	[spmem:s2] =	stream.linear.scatter [tilespmem:s8], [sflag:$0x2], $0x1000, $0x38;
	[tilespmem:$0x1C800] =	vst v63  }
0x5a: {  	s22 =	rddreg [dreg:$0x19]  }
0x5b: {  	[spmem:s22] =	stream.linear.scatter [tilespmem:s8], [sflag:$0x2], $0x1000, $0x38;
	[tilespmem:$0x1C800] =	vst v63  }
0x5c: {  	_ = 	snop  }
0x5d: {  	[tilespmem:s10], [sflag:$0x3] =	stream.linear.gather [hbm4b:s16+s4], $0x1400, $0x38;
	[tilespmem:$0x1C800] =	vst v63  }
0x5e: {  	_ =	swait.ge [sflag:s11], $0x1400  }
0x5f: {  	[sflag:s11] =	ssyncset.done $0x0  }
0x60: {  	s25 =	rddreg [dreg:$0x1a];
	[sflag:s11] =	ssyncadd.s32 $0xFFFFEC00  }
0x61: {  	[tilespmem:s12], [sflag:$0x3] =	stream.linear.gather [hbm4b:s25+s4], $0x1400, $0x38;
	[tilespmem:$0x1C800] =	vst v63  }
0x62: {  	_ =	swait.ge [sflag:s11], $0x1400  }
0x63: {  	[sflag:s11] =	ssyncset.done $0x0  }
0x64: {  	[sflag:s11] =	ssyncadd.s32 $0xFFFFEC00  }
0x65: {  	[tilespmem:s15], [sflag:$0x1] =	stream.indirect.gather [hbm4b:s1+s14], $0x80, s10, s14, $0xb8;
	[tilespmem:$0x1C800] =	vst v63  }
0x66: {  	_ =	swait.ge [sflag:s17], $0x1000  }
0x67: {  	[sflag:s17] =	ssyncset.done $0x0  }
0x68: {  	[sflag:s17] =	ssyncadd.s32 $0xFFFFF000  }
0x69: {  	_ =	swait.ge [sflag:s17], $0x1000  }
0x6a: {  	[sflag:s17] =	ssyncset.done $0x0  }
0x6b: {  	[sflag:s17] =	ssyncadd.s32 $0xFFFFF000  }
0x6c: {  	_ =	swait.ge [sflag:s17], $0x1000  }
0x6d: {  	[sflag:s17] =	ssyncset.done $0x0  }
0x6e: {  	[sflag:s17] =	ssyncadd.s32 $0xFFFFF000  }
0x6f: {  	_ =	swait.ge [sflag:s17], $0x1000  }
0x70: {  	[sflag:s17] =	ssyncset.done $0x0  }
0x71: {  	[sflag:s17] =	ssyncadd.s32 $0xFFFFF000  }
0x72: {  	_ =	swait.ge [sflag:s17], $0x1000  }
0x73: {  	[sflag:s17] =	ssyncset.done $0x0  }
0x74: {  	[sflag:s17] =	ssyncadd.s32 $0xFFFFF000  }
0x75: {  	_ =	swait.ge [sflag:s17], $0x1000  }
0x76: {  	[sflag:s17] =	ssyncset.done $0x0  }
0x77: {  	[sflag:s17] =	ssyncadd.s32 $0xFFFFF000  }
0x78: {  	_ =	swait.ge [sflag:s17], $0x1000  }
0x79: {  	[sflag:s17] =	ssyncset.done $0x0  }
0x7a: {  	[sflag:s17] =	ssyncadd.s32 $0xFFFFF000  }
0x7b: {  	_ =	swait.ge [sflag:s17], $0x1000  }
0x7c: {  	[sflag:s17] =	ssyncset.done $0x0  }
0x7d: {  	[sflag:s17] =	ssyncadd.s32 $0xFFFFF000  }
0x7e: {  	_ =	swait.ge [sflag:s17], $0x1000  }
0x7f: {  	[sflag:s17] =	ssyncset.done $0x0  }
0x80: {  	[sflag:s17] =	ssyncadd.s32 $0xFFFFF000  }
0x81: {  	_ =	swait.ge [sflag:s17], $0x1000  }
0x82: {  	[sflag:s17] =	ssyncset.done $0x0  }
0x83: {  	[sflag:s17] =	ssyncadd.s32 $0xFFFFF000  }
0x84: {  	_ =	swait.ge [sflag:s17], $0x1000  }
0x85: {  	[sflag:s17] =	ssyncset.done $0x0  }
0x86: {  	[sflag:s17] =	ssyncadd.s32 $0xFFFFF000  }
0x87: {  	_ =	swait.ge [sflag:s17], $0x1000  }
0x88: {  	[sflag:s17] =	ssyncset.done $0x0  }
0x89: {  	[sflag:s17] =	ssyncadd.s32 $0xFFFFF000  }
0x8a: {  	_ =	swait.ge [sflag:s17], $0x1000  }
0x8b: {  	[sflag:s17] =	ssyncset.done $0x0  }
0x8c: {  	[sflag:s17] =	ssyncadd.s32 $0xFFFFF000  }
0x8d: {  	_ =	swait.ge [sflag:s17], $0x1000  }
0x8e: {  	[sflag:s17] =	ssyncset.done $0x0  }
0x8f: {  	[sflag:s17] =	ssyncadd.s32 $0xFFFFF000  }
0x90: {  	_ =	swait.ge [sflag:s17], $0x1000  }
0x91: {  	[sflag:s17] =	ssyncset.done $0x0  }
0x92: {  	[sflag:s17] =	ssyncadd.s32 $0xFFFFF000  }
0x93: {  	_ =	swait.ge [sflag:s17], $0x1000  }
0x94: {  	[sflag:s17] =	ssyncset.done $0x0  }
0x95: {  	[sflag:s17] =	ssyncadd.s32 $0xFFFFF000  }
0x96: {  	_ =	swait.ge [sflag:s17], $0x1000  }
0x97: {  	[sflag:s17] =	ssyncset.done $0x0  }
0x98: {  	[sflag:s17] =	ssyncadd.s32 $0xFFFFF000  }
0x99: {  	_ =	swait.ge [sflag:s17], $0x1000  }
0x9a: {  	[sflag:s17] =	ssyncset.done $0x0  }
0x9b: {  	[sflag:s17] =	ssyncadd.s32 $0xFFFFF000  }
0x9c: {  	_ =	swait.ge [sflag:s17], $0x1000  }
0x9d: {  	[sflag:s17] =	ssyncset.done $0x0  }
0x9e: {  	[sflag:s17] =	ssyncadd.s32 $0xFFFFF000  }
0x9f: {  	_ =	swait.ge [sflag:s17], $0x1000  }
0xa0: {  	[sflag:s17] =	ssyncset.done $0x0  }
0xa1: {  	[sflag:s17] =	ssyncadd.s32 $0xFFFFF000  }
0xa2: {  	s26 =	simm.s32 $0x1;
	[bflag:$0x0] =	sbarrier.arrive $0xFFFF  }
0xa3: {  	[tilespmem:s19], [sflag:$0x1] =	stream.indirect.gather [hbm4b:s1+s14], $0x80, s18, s14, $0xb8;
	[tilespmem:$0x1C800] =	vst v63  }
0xa4: {  	s25 =	sand.u32 $0x1, s26;
	_ =	swait.ge [sflag:s26], $0x2800  }
0xa5: {  	s22 =	sxor.u32 $0x1, s25;
	[sflag:s26] =	ssyncset.done $0x0  }
0xa6: {  	[sflag:s26] =	ssyncadd.s32 $0xFFFFD800;
	s26 =	smul.u32 $0xA000, s22  }
0xa7: {  	[spmem:s3] =	stream.indirect.scatter.add.f32 [tilespmem:s15], [sflag:$0x2], $0x80, s12, s14, $0xb8;
	[tilespmem:$0x1C800] =	vst v63  }
0xa8: {  	s28 =	simm.s32 $0x140A0;
	_ =	swait.ge [sflag:s17], $0x2800  }
0xa9: {  	s30 =	simm.s32 $0x3;
	s26 =	sshrl.u32 s26, $0x2;
	[sflag:s17] =	ssyncset.done $0x0  }
0xaa: {  	s25 =	smul.u32 $0xA000, s25;
	s26 =	sadd.s32 $0x16800, s26;
	[sflag:s17] =	ssyncadd.s32 $0xFFFFD800  }
0xab: {  	[tilespmem:s26], [sflag:$0x1] =	stream.indirect.gather [hbm4b:s1+s14], $0x80, s28, s14, $0xb8;
	[tilespmem:$0x1C800] =	vst v63  }
0xac: {  	s31 =	simm.s32 $0x2;
	s22 =	simm.s32 $0x15450;
	s28 =	sshrl.u32 s25, $0x2  }
0xad: {  	s25 =	simm.s32 $0x140F0;
	s26 =	sand.u32 $0x1, s31;
	_ =	swait.ge [sflag:s20], $0x2800  }
0xae: {  	s29 =	sadd.s32 $0x16800, s28;
	s28 =	simm.s32 $0x15450;
	[sflag:s20] =	ssyncset.done $0x0  }
.LBB2_4:
0xaf: {  	s31 =	sxor.u32 $0x1, s26  }
0xb0: {  	s22 =	sadd.s32 $0x50, s22;
	s0 =	smov.u32 s30;
	s2 =	sadd.s32 $0x1, s30  }
0xb1: {  	p0 =	sne.s32 s30, $0x3E;
	s30 =	smul.u32 $0xA000, s31;
	[sflag:s20] =	ssyncadd.s32 $0xFFFFD800  }
0xb2: {  	[spmem:s3] =	stream.indirect.scatter.add.f32 [tilespmem:s29], [sflag:$0x2], $0x80, s28, s14, $0xb8;
	[tilespmem:$0x1C800] =	vst v63  }
0xb3: {  	s28 =	smov.u32 s22;
	_ =	swait.ge [sflag:s17], $0x2800;
	s29 =	sshrl.u32 s30, $0x2  }
.Ltmp1:
0xb4: {  	[sflag:s17] =	ssyncset.done $0x0;
	s29 =	sadd.s32 $0x16800, s29;
	(pc) =	sbr.rel @p0 .LBB2_4-.Ltmp1, $4  }
0xb5: {  	s26 =	smul.u32 $0xA000, s26;
	s30 =	smov.u32 s2;
	[sflag:s17] =	ssyncadd.s32 $0xFFFFD800  }
0xb6: {  	[tilespmem:s29], [sflag:$0x1] =	stream.indirect.gather [hbm4b:s1+s14], $0x80, s25, s14, $0xb8;
	[tilespmem:$0x1C800] =	vst v63  }
0xb7: {  	s29 =	sshrl.u32 s26, $0x2;
	s25 =	sadd.s32 $0x50, s25;
	_ =	swait.ge [sflag:s20], $0x2800  }
0xb8: {  	s26 =	sand.u32 $0x1, s0;
	s29 =	sadd.s32 $0x16800, s29;
	[sflag:s20] =	ssyncset.done $0x0  }
0xb9: {  	s0 =	sxor.u32 $0x1, s26  }
0xba: {  	[sflag:s20] =	ssyncadd.s32 $0xFFFFD800;
	s0 =	smul.u32 $0xA000, s0  }
0xbb: {  	[spmem:s3] =	stream.indirect.scatter.add.f32 [tilespmem:s29], [sflag:$0x2], $0x80, s28, s14, $0xb8;
	[tilespmem:$0x1C800] =	vst v63  }
0xbc: {  	_ =	swait.ge [sflag:s17], $0x2800  }
0xbd: {  	s0 =	sshrl.u32 s0, $0x2;
	[sflag:s17] =	ssyncset.done $0x0  }
0xbe: {  	s2 =	smul.u32 $0xA000, s26;
	s0 =	sadd.s32 $0x16800, s0;
	[sflag:s17] =	ssyncadd.s32 $0xFFFFD800  }
0xbf: {  	[tilespmem:s0], [sflag:$0x1] =	stream.indirect.gather [hbm4b:s1+s14], $0x80, s25, s14, $0xb8;
	[tilespmem:$0x1C800] =	vst v63  }
0xc0: {  	_ =	swait.ge [sflag:s20], $0x2800  }
0xc1: {  	s25 =	sshrl.u32 s2, $0x2;
	[sflag:s20] =	ssyncset.done $0x0  }
0xc2: {  	s26 =	sadd.s32 $0x50, s22;
	s0 =	sadd.s32 $0x16800, s25;
	[sflag:s20] =	ssyncadd.s32 $0xFFFFD800  }
0xc3: {  	[spmem:s3] =	stream.indirect.scatter.add.f32 [tilespmem:s0], [sflag:$0x2], $0x80, s26, s14, $0xb8;
	[tilespmem:$0x1C800] =	vst v63  }
0xc4: {  	_ =	swait.ge [sflag:s17], $0x2800  }
0xc5: {  	[sflag:s17] =	ssyncset.done $0x0  }
0xc6: {  	s31 =	simm.s32 $0x1;
	[sflag:s17] =	ssyncadd.s32 $0xFFFFD800  }
0xc7: {  	_ =	swait.ge [sflag:s31], $0x2800  }
0xc8: {  	[sflag:s31] =	ssyncset.done $0x0  }
0xc9: {  	s22 =	simm.s32 $0x167B0;
	[sflag:s31] =	ssyncadd.s32 $0xFFFFD800  }
0xca: {  	[spmem:s3] =	stream.indirect.scatter.add.f32 [tilespmem:s19], [sflag:$0x2], $0x80, s22, s14, $0xb8;
	[tilespmem:$0x1C800] =	vst v63  }
0xcb: {  	_ =	swait.ge [sflag:s17], $0x2800  }
0xcc: {  	[sflag:s17] =	ssyncset.done $0x0  }
0xcd: {  	[sflag:s17] =	ssyncadd.s32 $0xFFFFD800  }
0xce: {  	[tilespmem:s10], [sflag:$0x3] =	stream.linear.gather [hbm4b:s6+s4], $0x1310, $0x38;
	[tilespmem:$0x1C800] =	vst v63  }
0xcf: {  	_ =	swait.ge [sflag:s11], $0x1310  }
0xd0: {  	[sflag:s11] =	ssyncset.done $0x0  }
0xd1: {  	[sflag:s11] =	ssyncadd.s32 $0xFFFFECF0  }
0xd2: {  	[tilespmem:s12], [sflag:$0x3] =	stream.linear.gather [hbm4b:s7+s4], $0x1310, $0x38;
	[tilespmem:$0x1C800] =	vst v63  }
0xd3: {  	_ =	swait.ge [sflag:s11], $0x1310  }
0xd4: {  	[sflag:s11] =	ssyncset.done $0x0  }
0xd5: {  	[sflag:s11] =	ssyncadd.s32 $0xFFFFECF0  }
0xd6: {  	[tilespmem:s15], [sflag:$0x1] =	stream.indirect.gather [hbm4b:s1+s14], $0x80, s10, s14, $0xb8;
	[tilespmem:$0x1C800] =	vst v63  }
0xd7: {  	_ = 	snop  }
0xd8: {  	[tilespmem:s19], [sflag:$0x1] =	stream.indirect.gather [hbm4b:s1+s14], $0x80, s18, s14, $0xb8;
	[tilespmem:$0x1C800] =	vst v63  }
0xd9: {  	s0 =	sand.u32 $0x1, s31;
	_ =	swait.ge [sflag:s31], $0x2800  }
0xda: {  	s30 =	simm.s32 $0x3;
	s25 =	sxor.u32 $0x1, s0;
	[sflag:s31] =	ssyncset.done $0x0  }
0xdb: {  	s28 =	simm.s32 $0x15450;
	s2 =	smul.u32 $0xA000, s25;
	[sflag:s31] =	ssyncadd.s32 $0xFFFFD800  }
0xdc: {  	[spmem:s3] =	stream.indirect.scatter.add.f32 [tilespmem:s15], [sflag:$0x2], $0x80, s12, s14, $0xb8;
	[tilespmem:$0x1C800] =	vst v63  }
0xdd: {  	s26 =	simm.s32 $0x140A0;
	s0 =	smul.u32 $0xA000, s0;
	_ =	swait.ge [sflag:s17], $0x2800  }
0xde: {  	s25 =	simm.s32 $0x140F0;
	s2 =	sshrl.u32 s2, $0x2;
	[sflag:s17] =	ssyncset.done $0x0  }
0xdf: {  	s0 =	sshrl.u32 s0, $0x2;
	s2 =	sadd.s32 $0x16800, s2;
	[sflag:s17] =	ssyncadd.s32 $0xFFFFD800  }
0xe0: {  	[tilespmem:s2], [sflag:$0x1] =	stream.indirect.gather [hbm4b:s1+s14], $0x80, s26, s14, $0xb8;
	[tilespmem:$0x1C800] =	vst v63  }
0xe1: {  	s29 =	sadd.s32 $0x16800, s0;
	s31 =	simm.s32 $0x2;
	_ =	swait.ge [sflag:s20], $0x2800  }
0xe2: {  	s22 =	simm.s32 $0x15450;
	s26 =	sand.u32 $0x1, s31;
	[sflag:s20] =	ssyncset.done $0x0  }
.LBB2_6:
0xe3: {  	s0 =	sxor.u32 $0x1, s26  }
0xe4: {  	s22 =	sadd.s32 $0x50, s22;
	s2 =	smov.u32 s30;
	s31 =	sadd.s32 $0x1, s30  }
0xe5: {  	p0 =	sne.s32 s30, $0x3B;
	s0 =	smul.u32 $0xA000, s0;
	[sflag:s20] =	ssyncadd.s32 $0xFFFFD800  }
0xe6: {  	[spmem:s3] =	stream.indirect.scatter.add.f32 [tilespmem:s29], [sflag:$0x2], $0x80, s28, s14, $0xb8;
	[tilespmem:$0x1C800] =	vst v63  }
0xe7: {  	s28 =	smov.u32 s22;
	_ =	swait.ge [sflag:s17], $0x2800;
	s0 =	sshrl.u32 s0, $0x2  }
.Ltmp2:
0xe8: {  	[sflag:s17] =	ssyncset.done $0x0;
	s0 =	sadd.s32 $0x16800, s0;
	(pc) =	sbr.rel @p0 .LBB2_6-.Ltmp2, $4  }
0xe9: {  	s26 =	smul.u32 $0xA000, s26;
	s30 =	smov.u32 s31;
	[sflag:s17] =	ssyncadd.s32 $0xFFFFD800  }
0xea: {  	[tilespmem:s0], [sflag:$0x1] =	stream.indirect.gather [hbm4b:s1+s14], $0x80, s25, s14, $0xb8;
	[tilespmem:$0x1C800] =	vst v63  }
0xeb: {  	s0 =	sshrl.u32 s26, $0x2;
	s25 =	sadd.s32 $0x50, s25;
	_ =	swait.ge [sflag:s20], $0x2800  }
0xec: {  	s26 =	sand.u32 $0x1, s2;
	s29 =	sadd.s32 $0x16800, s0;
	[sflag:s20] =	ssyncset.done $0x0  }
0xed: {  	s0 =	sxor.u32 $0x1, s26  }
0xee: {  	[sflag:s20] =	ssyncadd.s32 $0xFFFFD800;
	s0 =	smul.u32 $0xA000, s0  }
0xef: {  	[spmem:s3] =	stream.indirect.scatter.add.f32 [tilespmem:s29], [sflag:$0x2], $0x80, s28, s14, $0xb8;
	[tilespmem:$0x1C800] =	vst v63  }
0xf0: {  	_ =	swait.ge [sflag:s17], $0x2800  }
0xf1: {  	s0 =	sshrl.u32 s0, $0x2;
	[sflag:s17] =	ssyncset.done $0x0  }
0xf2: {  	s2 =	smul.u32 $0xA000, s26;
	s0 =	sadd.s32 $0x16800, s0;
	[sflag:s17] =	ssyncadd.s32 $0xFFFFD800  }
0xf3: {  	[tilespmem:s0], [sflag:$0x1] =	stream.indirect.gather [hbm4b:s1+s14], $0x80, s25, s14, $0xb8;
	[tilespmem:$0x1C800] =	vst v63  }
0xf4: {  	_ =	swait.ge [sflag:s20], $0x2800  }
0xf5: {  	s29 =	sshrl.u32 s2, $0x2;
	[sflag:s20] =	ssyncset.done $0x0  }
0xf6: {  	s30 =	sadd.s32 $0x50, s22;
	s0 =	sadd.s32 $0x16800, s29;
	[sflag:s20] =	ssyncadd.s32 $0xFFFFD800  }
0xf7: {  	[spmem:s3] =	stream.indirect.scatter.add.f32 [tilespmem:s0], [sflag:$0x2], $0x80, s30, s14, $0xb8;
	[tilespmem:$0x1C800] =	vst v63  }
0xf8: {  	_ =	swait.ge [sflag:s17], $0x2800  }
0xf9: {  	[sflag:s17] =	ssyncset.done $0x0  }
0xfa: {  	[sflag:s17] =	ssyncadd.s32 $0xFFFFD800  }
0xfb: {  	_ =	swait.ge [sflag:s20], $0x2800  }
0xfc: {  	[sflag:s20] =	ssyncset.done $0x0  }
0xfd: {  	s31 =	simm.s32 $0x166C0;
	[sflag:s20] =	ssyncadd.s32 $0xFFFFD800  }
0xfe: {  	[spmem:s3] =	stream.indirect.scatter.add.f32 [tilespmem:s15], [sflag:$0x2], $0x80, s31, s14, $0xb8;
	[tilespmem:$0x1C800] =	vst v63  }
0xff: {  	_ =	swait.ge [sflag:s17], $0x2800  }
0x100: {  	[sflag:s17] =	ssyncset.done $0x0  }
0x101: {  	s2 =	stileid.u32;
	[sflag:s17] =	ssyncadd.s32 $0xFFFFD800  }
0x102: {  	s0 =	sshll.u32 s2, $0x6;
	[bflag:$0x0] =	sbarrier.arrive $0xFFFF  }
0x103: {  	s22 =	sshrl.u32 s5, $0x3;
	s0 =	sor.u32 $0x1C01, s0;
	s25 =	rddreg [dreg:$0xd]  }
0x104: {  	[hbm:s25], [sflag:s0] =	dma.local [spmem:s22], $0x800  }
0x105: {  	s26 =	sshrl.u32 s9, $0x3;
	s22 =	rddreg [dreg:$0xe]  }
0x106: {  	[hbm:s22], [sflag:s0] =	dma.local [spmem:s26], $0x800  }
0x107: {  	s28 =	sshrl.u32 s13, $0x3;
	s22 =	rddreg [dreg:$0xf]  }
0x108: {  	[hbm:s22], [sflag:s0] =	dma.local [spmem:s28], $0x800  }
0x109: {  	s29 =	sshrl.u32 s23, $0x3;
	s22 =	rddreg [dreg:$0x10]  }
0x10a: {  	[hbm:s22], [sflag:s0] =	dma.local [spmem:s29], $0x800  }
0x10b: {  	s30 =	sshrl.u32 s24, $0x3;
	s22 =	rddreg [dreg:$0x11]  }
0x10c: {  	[hbm:s22], [sflag:s0] =	dma.local [spmem:s30], $0x800  }
0x10d: {  	_ =	swait.ge [sflag:s20], $0x800  }
0x10e: {  	[sflag:s20] =	ssyncset.done $0x0  }
0x10f: {  	[sflag:s20] =	ssyncadd.s32 $0xFFFFF800  }
0x110: {  	_ =	swait.ge [sflag:s20], $0x800  }
0x111: {  	[sflag:s20] =	ssyncset.done $0x0  }
0x112: {  	[sflag:s20] =	ssyncadd.s32 $0xFFFFF800  }
0x113: {  	_ =	swait.ge [sflag:s20], $0x800  }
0x114: {  	[sflag:s20] =	ssyncset.done $0x0  }
0x115: {  	[sflag:s20] =	ssyncadd.s32 $0xFFFFF800  }
0x116: {  	_ =	swait.ge [sflag:s20], $0x800  }
0x117: {  	[sflag:s20] =	ssyncset.done $0x0  }
0x118: {  	[sflag:s20] =	ssyncadd.s32 $0xFFFFF800  }
0x119: {  	_ =	swait.ge [sflag:s20], $0x800  }
0x11a: {  	s21 =	sadd.s32 $0x1, s21;
	s31 =	rddreg [dreg:$0x13]  }
0x11b: {  	p0 =	sne.s32 s21, s31  }
.Ltmp3:
0x11c: {  	_ = 	snop;
	(pc) =	sbr.rel @p0 .LBB2_1-.Ltmp3, $3  }
0x11d: {  	_ =	sdelay $0x1  }
0x11e: {  	[sflag:s20] =	ssyncset.done $0x0  }
0x11f: {  	[sflag:s20] =	ssyncadd.s32 $0xFFFFF800  }
0x120: {  	_ =	sfence.sel $0x180000  }
0x121: {  	[bflag:$0x0] =	sbarrier.arrive $0xFFFF  }
0x122: {  	_ =	strace $0x90000047  }
0x123: {  	s0 =	stileid.u32;
	[bflag:$0x2] =	sbarrier.arrive $0xFFFF  }
0x124: {  	p0 =	sne.s32 s0, $0x0;
	s0 =	rddreg [dreg:$0x4]  }
0x125: {  	s0 =	sadd.s32 @!p0 $0x100000, s0  }
0x126: {  	[sflag:s0] =	ssyncadd.tile.s32 @!p0 $0x1;
	_ =	shalt  }
.Lfunc_end2:
_tile_overlayer_lowered:
.L_overlay_start_2:
0x127: {  	(tag) =	ssettag $0x2  }
0x128: {  	s0 =	rddreg [dreg:$0x0];
	s2 =	stileid.u32  }
0x129: {  	s1 =	rddreg [dreg:$0x1];
	p0 =	sne.s32 s2, $0x0  }
0x12a: {  	s3 =	rddreg [dreg:$0x2];
	[bflag:$0x3] =	sbarrier.arrive $0xFFFF;
	s2 =	simm.s32 @!p0 $0x1C03  }
0x12b: {  	[timem:s3], [sflag:s2] =	dma.local @!p0 [hbm:s0], s1  }
0x12c: {  	s0 =	simm.s32 @!p0 $0x3  }
0x12d: {  	_ =	swait.ge @!p0 [sflag:s0], s1  }
0x12e: {  	s1 =	ssub.s32 @!p0 $0x0, s1;
	[sflag:s0] =	ssyncset.done @!p0 $0x0  }
0x12f: {  	[sflag:s0] =	ssyncadd.s32 @!p0 s1  }
0x130: {  	[bflag:$0x3] =	sbarrier.arrive $0xFFFF  }
0x131: {  	_ =	shalt  }

</sc_bundles>
